<compile_context>
chip_gen: v7x
topology: tpu7x:2x2x1
jax: 0.10.2.dev20260603
libtpu: 0.0.44.dev20260713+nightly
codegen_flags: <defaults>
</compile_context>

<pallas_src>
import functools

import jax
import jax.numpy as jnp
from jax import lax
from jax.experimental import pallas as pl
from jax.experimental.pallas import tpu as pltpu
from jax.experimental.pallas import tpu_sc as plsc

N_NODES = 10000
N_EDGES = 320000
IN_CH = 128
HID = 256
HALF = HID // 2
NP = 10240

NC = 2
NS = 16
LANES = 16

CHUNK = 128
E_PAD = 327680
IDX_ROWS = E_PAD // CHUNK
TILE_IDX_ROWS = IDX_ROWS // NS
IDX_BLOCK = 40
DEG_IDX_ROWS = IDX_ROWS // NC // NS
ROWS_PER_TILE = NP // NS
DEG_PER_TILE = NP // NS

_MESH = plsc.VectorSubcoreMesh(
    core_axis_name="c", subcore_axis_name="s", num_cores=NC, num_subcores=NS
)


@functools.partial(
    pl.kernel,
    out_type=jax.ShapeDtypeStruct((NC, NP), jnp.float32),
    mesh=_MESH,
    scratch_types=[
        pltpu.VMEM((DEG_IDX_ROWS, CHUNK), jnp.int32),
        pltpu.VMEM((CHUNK,), jnp.float32),
        pltpu.VMEM((DEG_PER_TILE,), jnp.float32),
        pltpu.VMEM_SHARED((NP,), jnp.float32),
    ],
)
def _sc_degree(dst_hbm, ones_hbm, out_hbm, idx_v, ones_v, zero_v, acc_sh):
    c = lax.axis_index("c")
    s = lax.axis_index("s")
    zero = jnp.zeros((LANES,), jnp.float32)
    for j in range(DEG_PER_TILE // LANES):
        zero_v[pl.ds(j * LANES, LANES)] = zero
    pltpu.sync_copy(zero_v, acc_sh.at[pl.ds(s * DEG_PER_TILE, DEG_PER_TILE)])
    pltpu.sync_copy(ones_hbm, ones_v)
    ibase = c * (IDX_ROWS // NC) + s * DEG_IDX_ROWS
    pltpu.sync_copy(dst_hbm.at[pl.ds(ibase, DEG_IDX_ROWS)], idx_v)
    plsc.subcore_barrier()

    def body(i, carry):
        pltpu.sync_copy(ones_v, acc_sh.at[idx_v.at[i]], add=True)
        return carry

    lax.fori_loop(0, DEG_IDX_ROWS, body, 0)
    plsc.subcore_barrier()
    pltpu.sync_copy(
        acc_sh.at[pl.ds(s * DEG_PER_TILE, DEG_PER_TILE)],
        out_hbm.at[c, pl.ds(s * DEG_PER_TILE, DEG_PER_TILE)],
    )


@functools.partial(
    pl.kernel,
    out_type=jax.ShapeDtypeStruct((NC, NP, HALF), jnp.float32),
    mesh=_MESH,
    scratch_types=[
        pltpu.VMEM((IDX_BLOCK, CHUNK), jnp.int32),
        pltpu.VMEM((IDX_BLOCK, CHUNK), jnp.int32),
        pltpu.VMEM((CHUNK, HALF), jnp.float32),
        pltpu.VMEM((CHUNK, HALF), jnp.float32),
        pltpu.VMEM_SHARED((NP, HALF), jnp.float32),
        pltpu.SemaphoreType.DMA,
        pltpu.SemaphoreType.DMA,
    ],
)
def _sc_aggregate(hp_hbm, srcab_hbm, dst_hbm, zeros_hbm, out_hbm,
                  sidx_v, didx_v, rows0_v, rows1_v, acc_sh, sem0, sem1):
    c = lax.axis_index("c")
    s = lax.axis_index("s")
    rbase = s * ROWS_PER_TILE
    pltpu.sync_copy(
        zeros_hbm.at[pl.ds(rbase, ROWS_PER_TILE)],
        acc_sh.at[pl.ds(rbase, ROWS_PER_TILE)],
    )
    ibase = s * TILE_IDX_ROWS
    plsc.subcore_barrier()

    def block(b, carry):
        pltpu.sync_copy(
            srcab_hbm.at[c, pl.ds(ibase + b * IDX_BLOCK, IDX_BLOCK)], sidx_v
        )
        pltpu.sync_copy(
            dst_hbm.at[pl.ds(ibase + b * IDX_BLOCK, IDX_BLOCK)], didx_v
        )
        pltpu.async_copy(hp_hbm.at[sidx_v.at[0]], rows0_v, sem0)

        def pair(k, c2):
            i0 = 2 * k
            i1 = i0 + 1
            pltpu.make_async_copy(
                zeros_hbm.at[pl.ds(0, CHUNK)], rows0_v, sem0).wait()
            pltpu.async_copy(hp_hbm.at[sidx_v.at[i1]], rows1_v, sem1)
            pltpu.sync_copy(rows0_v, acc_sh.at[didx_v.at[i0]], add=True)
            pltpu.make_async_copy(
                zeros_hbm.at[pl.ds(0, CHUNK)], rows1_v, sem1).wait()

            @pl.when(k < IDX_BLOCK // 2 - 1)
            def _():
                pltpu.async_copy(hp_hbm.at[sidx_v.at[i0 + 2]], rows0_v, sem0)

            pltpu.sync_copy(rows1_v, acc_sh.at[didx_v.at[i1]], add=True)
            return c2

        lax.fori_loop(0, IDX_BLOCK // 2, pair, 0)
        return carry

    lax.fori_loop(0, TILE_IDX_ROWS // IDX_BLOCK, block, 0)
    plsc.subcore_barrier()
    pltpu.sync_copy(
        acc_sh.at[pl.ds(rbase, ROWS_PER_TILE)],
        out_hbm.at[c, pl.ds(rbase, ROWS_PER_TILE)],
    )


def _tc1_body(x_ref, w_ref, dis_ref, out_ref):
    h = jnp.dot(x_ref[...], w_ref[...], preferred_element_type=jnp.float32)
    hp = dis_ref[...] * h
    out_ref[0] = hp[:, :HALF]
    out_ref[1] = hp[:, HALF:]


def _tc_mid_body(aa_ref, ha_ref, dis_ref, b_ref, w_ref, out_ref):
    a = jnp.concatenate([aa_ref[0] + ha_ref[0], aa_ref[1] + ha_ref[1]], axis=1)
    d = dis_ref[...]
    h = jnp.maximum(d * a + b_ref[0:1, :], 0.0)
    o = d * jnp.dot(h, w_ref[...], preferred_element_type=jnp.float32)
    out_ref[0] = o[:, :HALF]
    out_ref[1] = o[:, HALF:]


def _tc_final_body(aa_ref, ha_ref, dis_ref, b_ref, wl_ref, bl_ref, out_ref):
    a = jnp.concatenate([aa_ref[0] + ha_ref[0], aa_ref[1] + ha_ref[1]], axis=1)
    d = dis_ref[...]
    h = jnp.maximum(d * a + b_ref[0:1, :], 0.0)
    z = jnp.dot(h, wl_ref[...], preferred_element_type=jnp.float32)
    z = z + bl_ref[0:1, 0:1]
    out_ref[...] = 1.0 / (1.0 + jnp.exp(-z))


_R = 5120
_G = NP // _R


def kernel(x, edge_index, W1, b1, W2, b2, Wl, bl):
    src = edge_index[0].astype(jnp.int32)
    dst = edge_index[1].astype(jnp.int32)

    pad_n = E_PAD - N_EDGES
    pad_src = jnp.arange(pad_n, dtype=jnp.int32) % N_NODES
    pad_dst = N_NODES + (jnp.arange(pad_n, dtype=jnp.int32) % (NP - N_NODES))
    src_p = jnp.concatenate([src, pad_src])
    dst_p = jnp.concatenate([dst, pad_dst])
    src_ab = jnp.stack([src_p, src_p + NP]).reshape(NC, IDX_ROWS, CHUNK)
    dst2d = dst_p.reshape(IDX_ROWS, CHUNK)

    xp = jnp.pad(x, ((0, NP - N_NODES), (0, 0)))
    ones_hbm = jnp.ones((CHUNK,), jnp.float32)

    partials = _sc_degree(dst2d, ones_hbm)
    deg = partials[0] + partials[1] + 1.0
    dis = lax.rsqrt(deg).reshape(NP, 1)

    zeros = jnp.zeros((NP, HALF), jnp.float32)
    b1b = jnp.broadcast_to(b1.reshape(1, HID), (8, HID))
    b2b = jnp.broadcast_to(b2.reshape(1, HID), (8, HID))
    wlp = jnp.pad(Wl, ((0, 0), (0, HALF - 1)))
    blb = jnp.broadcast_to(bl.reshape(1, 1), (8, HALF))

    hp1 = pl.pallas_call(
        _tc1_body,
        grid=(_G,),
        in_specs=[
            pl.BlockSpec((_R, IN_CH), lambda i: (i, 0)),
            pl.BlockSpec((IN_CH, HID), lambda i: (0, 0)),
            pl.BlockSpec((_R, 1), lambda i: (i, 0)),
        ],
        out_specs=pl.BlockSpec((2, _R, HALF), lambda i: (0, i, 0)),
        out_shape=jax.ShapeDtypeStruct((2, NP, HALF), jnp.float32),
    )(xp, W1, dis)

    agg1 = _sc_aggregate(hp1.reshape(2 * NP, HALF), src_ab, dst2d, zeros)

    hp2 = pl.pallas_call(
        _tc_mid_body,
        grid=(_G,),
        in_specs=[
            pl.BlockSpec((2, _R, HALF), lambda i: (0, i, 0)),
            pl.BlockSpec((2, _R, HALF), lambda i: (0, i, 0)),
            pl.BlockSpec((_R, 1), lambda i: (i, 0)),
            pl.BlockSpec((8, HID), lambda i: (0, 0)),
            pl.BlockSpec((HID, HID), lambda i: (0, 0)),
        ],
        out_specs=pl.BlockSpec((2, _R, HALF), lambda i: (0, i, 0)),
        out_shape=jax.ShapeDtypeStruct((2, NP, HALF), jnp.float32),
    )(agg1, hp1, dis, b1b, W2)

    agg2 = _sc_aggregate(hp2.reshape(2 * NP, HALF), src_ab, dst2d, zeros)

    o = pl.pallas_call(
        _tc_final_body,
        grid=(_G,),
        in_specs=[
            pl.BlockSpec((2, _R, HALF), lambda i: (0, i, 0)),
            pl.BlockSpec((2, _R, HALF), lambda i: (0, i, 0)),
            pl.BlockSpec((_R, 1), lambda i: (i, 0)),
            pl.BlockSpec((8, HID), lambda i: (0, 0)),
            pl.BlockSpec((HID, HALF), lambda i: (0, 0)),
            pl.BlockSpec((8, HALF), lambda i: (0, 0)),
        ],
        out_specs=pl.BlockSpec((_R, HALF), lambda i: (i, 0)),
        out_shape=jax.ShapeDtypeStruct((NP, HALF), jnp.float32),
    )(agg2, hp2, dis, b2b, wlp, blb)

    return o[:N_NODES, 0]

# --- scband reference (transcript-rebuilt; emitter-appended) ---
"""Pipeline reference for scband-gnnstock-predictor-76424648065062 (READ-ONLY COPY).

The authoritative reference and input builder live on the scoring server;
editing this copy changes nothing except your own understanding.
"""

import jax, jax.numpy as jnp
import numpy as np

N_NODES = 10000
N_EDGES = 320000
IN_CH = 128
HID = 256


def setup_inputs(seed: int = 0) -> dict:
    key = jax.random.key(seed)
    ks = jax.random.split(key, 8)
    x = jax.random.normal(ks[0], (N_NODES, IN_CH), dtype=jnp.float32)
    edge_index = jax.random.randint(ks[1], (2, N_EDGES), 0, N_NODES, dtype=jnp.int64)
    # GCNConv weights (glorot-ish scaling)
    W1 = jax.random.normal(ks[2], (IN_CH, HID), dtype=jnp.float32) * (1.0 / np.sqrt(IN_CH))
    b1 = jnp.zeros((HID,), dtype=jnp.float32)
    W2 = jax.random.normal(ks[3], (HID, HID), dtype=jnp.float32) * (1.0 / np.sqrt(HID))
    b2 = jnp.zeros((HID,), dtype=jnp.float32)
    Wl = jax.random.normal(ks[4], (HID, 1), dtype=jnp.float32) * (1.0 / np.sqrt(HID))
    bl = jnp.zeros((1,), dtype=jnp.float32)
    return {"x": x, "edge_index": edge_index, "W1": W1, "b1": b1, "W2": W2, "b2": b2, "Wl": Wl, "bl": bl}


def _gcn_conv(x, src, dst, W, b, n_nodes):
    # PyG GCNConv: add self-loops, symmetric deg^{-1/2} normalization,
    # then aggregate (scatter-add) of transformed features, then bias.
    h = x @ W
    loop = jnp.arange(n_nodes, dtype=src.dtype)
    src2 = jnp.concatenate([src, loop])
    dst2 = jnp.concatenate([dst, loop])
    ones = jnp.ones(src2.shape[0], dtype=h.dtype)
    deg = jax.ops.segment_sum(ones, dst2, num_segments=n_nodes)
    deg_inv_sqrt = jnp.where(deg > 0, jax.lax.rsqrt(deg), 0.0)
    norm = deg_inv_sqrt[src2] * deg_inv_sqrt[dst2]
    msg = h[src2] * norm[:, None]
    out = jax.ops.segment_sum(msg, dst2, num_segments=n_nodes)
    return out + b


def reference(x, edge_index, W1, b1, W2, b2, Wl, bl):
    src = edge_index[0]
    dst = edge_index[1]
    h = jax.nn.relu(_gcn_conv(x, src, dst, W1, b1, N_NODES))
    # dropout p=0.2 is identity in eval mode
    h = jax.nn.relu(_gcn_conv(h, src, dst, W2, b2, N_NODES))
    out = h @ Wl + bl
    return jax.nn.sigmoid(out).squeeze(-1)

if __name__ == "__main__":
    import jax
    _d = setup_inputs()
    print(jax.jit(kernel)(*tuple(_d.values())))

</pallas_src>

<mosaic_0001>
#map = affine_map<(d0, d1) -> (0, 0)>
#map1 = affine_map<(d0, d1) -> (0)>
module attributes {stable_mosaic.version = 14 : i64} {
  func.func @_sc_degree(%arg0: i32, %arg1: i32, %arg2: memref<2560x128xi32, #tpu.memory_space<hbm>>, %arg3: memref<128xf32, #tpu.memory_space<hbm>>, %arg4: memref<2x10240xf32, #tpu.memory_space<hbm>>, %arg5: memref<80x128xi32, #tpu.memory_space<vmem>>, %arg6: memref<128xf32, #tpu.memory_space<vmem>>, %arg7: memref<640xf32, #tpu.memory_space<vmem>>, %arg8: memref<10240xf32, #tpu.memory_space<vmem_shared>>) attributes {dimension_semantics = [#tpu.dimension_semantics<core_parallel>, #tpu.dimension_semantics<subcore_parallel>], iteration_bounds = array<i64: 2, 16>, scalar_prefetch = 0 : i64, scratch_operands = 4 : i64, tpu.core_type = #tpu.core_type<sc_vector_subcore>, window_params = [{transform_indices = #map}, {transform_indices = #map1}, {transform_indices = #map}]} {
    %broadcast_in_dim3A = arith.constant 0.000000e+00 : f32
    %broadcast_in_dim3A_0 = vector.broadcast %broadcast_in_dim3A : f32 to vector<16xf32>
    %swap3A = arith.constant 0 : index
    %swap3A_1 = tpu.vector_load %arg7[%swap3A] {strides = array<i32>} : memref<640xf32, #tpu.memory_space<vmem>>, vector<16xf32>,
    %swap3A_2 = vector.shape_cast %swap3A_1 : vector<16xf32> to vector<16xf32>
    %swap3A_3 = vector.shape_cast %broadcast_in_dim3A_0 : vector<16xf32> to vector<16xf32>
    tpu.vector_store %arg7[%swap3A], %swap3A_3 {strides = array<i32>} : memref<640xf32, #tpu.memory_space<vmem>>, vector<16xf32>,
    %swap3A_4 = arith.constant 16 : index
    %swap3A_5 = tpu.vector_load %arg7[%swap3A_4] {strides = array<i32>} : memref<640xf32, #tpu.memory_space<vmem>>, vector<16xf32>,
    %swap3A_6 = vector.shape_cast %swap3A_5 : vector<16xf32> to vector<16xf32>
    %swap3A_7 = vector.shape_cast %broadcast_in_dim3A_0 : vector<16xf32> to vector<16xf32>
    tpu.vector_store %arg7[%swap3A_4], %swap3A_7 {strides = array<i32>} : memref<640xf32, #tpu.memory_space<vmem>>, vector<16xf32>,
    %swap3A_8 = arith.constant 32 : index
    %swap3A_9 = tpu.vector_load %arg7[%swap3A_8] {strides = array<i32>} : memref<640xf32, #tpu.memory_space<vmem>>, vector<16xf32>,
    %swap3A_10 = vector.shape_cast %swap3A_9 : vector<16xf32> to vector<16xf32>
    %swap3A_11 = vector.shape_cast %broadcast_in_dim3A_0 : vector<16xf32> to vector<16xf32>
    tpu.vector_store %arg7[%swap3A_8], %swap3A_11 {strides = array<i32>} : memref<640xf32, #tpu.memory_space<vmem>>, vector<16xf32>,
    %swap3A_12 = arith.constant 48 : index
    %swap3A_13 = tpu.vector_load %arg7[%swap3A_12] {strides = array<i32>} : memref<640xf32, #tpu.memory_space<vmem>>, vector<16xf32>,
    %swap3A_14 = vector.shape_cast %swap3A_13 : vector<16xf32> to vector<16xf32>
    %swap3A_15 = vector.shape_cast %broadcast_in_dim3A_0 : vector<16xf32> to vector<16xf32>
    tpu.vector_store %arg7[%swap3A_12], %swap3A_15 {strides = array<i32>} : memref<640xf32, #tpu.memory_space<vmem>>, vector<16xf32>,
    %swap3A_16 = arith.constant 64 : index
    %swap3A_17 = tpu.vector_load %arg7[%swap3A_16] {strides = array<i32>} : memref<640xf32, #tpu.memory_space<vmem>>, vector<16xf32>,
    %swap3A_18 = vector.shape_cast %swap3A_17 : vector<16xf32> to vector<16xf32>
    %swap3A_19 = vector.shape_cast %broadcast_in_dim3A_0 : vector<16xf32> to vector<16xf32>
    tpu.vector_store %arg7[%swap3A_16], %swap3A_19 {strides = array<i32>} : memref<640xf32, #tpu.memory_space<vmem>>, vector<16xf32>,
    %swap3A_20 = arith.constant 80 : index
    %swap3A_21 = tpu.vector_load %arg7[%swap3A_20] {strides = array<i32>} : memref<640xf32, #tpu.memory_space<vmem>>, vector<16xf32>,
    %swap3A_22 = vector.shape_cast %swap3A_21 : vector<16xf32> to vector<16xf32>
    %swap3A_23 = vector.shape_cast %broadcast_in_dim3A_0 : vector<16xf32> to vector<16xf32>
    tpu.vector_store %arg7[%swap3A_20], %swap3A_23 {strides = array<i32>} : memref<640xf32, #tpu.memory_space<vmem>>, vector<16xf32>,
    %swap3A_24 = arith.constant 96 : index
    %swap3A_25 = tpu.vector_load %arg7[%swap3A_24] {strides = array<i32>} : memref<640xf32, #tpu.memory_space<vmem>>, vector<16xf32>,
    %swap3A_26 = vector.shape_cast %swap3A_25 : vector<16xf32> to vector<16xf32>
    %swap3A_27 = vector.shape_cast %broadcast_in_dim3A_0 : vector<16xf32> to vector<16xf32>
    tpu.vector_store %arg7[%swap3A_24], %swap3A_27 {strides = array<i32>} : memref<640xf32, #tpu.memory_space<vmem>>, vector<16xf32>,
    %swap3A_28 = arith.constant 112 : index
    %swap3A_29 = tpu.vector_load %arg7[%swap3A_28] {strides = array<i32>} : memref<640xf32, #tpu.memory_space<vmem>>, vector<16xf32>,
    %swap3A_30 = vector.shape_cast %swap3A_29 : vector<16xf32> to vector<16xf32>
    %swap3A_31 = vector.shape_cast %broadcast_in_dim3A_0 : vector<16xf32> to vector<16xf32>
    tpu.vector_store %arg7[%swap3A_28], %swap3A_31 {strides = array<i32>} : memref<640xf32, #tpu.memory_space<vmem>>, vector<16xf32>,
    %swap3A_32 = arith.constant 128 : index
    %swap3A_33 = tpu.vector_load %arg7[%swap3A_32] {strides = array<i32>} : memref<640xf32, #tpu.memory_space<vmem>>, vector<16xf32>,
    %swap3A_34 = vector.shape_cast %swap3A_33 : vector<16xf32> to vector<16xf32>
    %swap3A_35 = vector.shape_cast %broadcast_in_dim3A_0 : vector<16xf32> to vector<16xf32>
    tpu.vector_store %arg7[%swap3A_32], %swap3A_35 {strides = array<i32>} : memref<640xf32, #tpu.memory_space<vmem>>, vector<16xf32>,
    %swap3A_36 = arith.constant 144 : index
    %swap3A_37 = tpu.vector_load %arg7[%swap3A_36] {strides = array<i32>} : memref<640xf32, #tpu.memory_space<vmem>>, vector<16xf32>,
    %swap3A_38 = vector.shape_cast %swap3A_37 : vector<16xf32> to vector<16xf32>
    %swap3A_39 = vector.shape_cast %broadcast_in_dim3A_0 : vector<16xf32> to vector<16xf32>
    tpu.vector_store %arg7[%swap3A_36], %swap3A_39 {strides = array<i32>} : memref<640xf32, #tpu.memory_space<vmem>>, vector<16xf32>,
    %swap3A_40 = arith.constant 160 : index
    %swap3A_41 = tpu.vector_load %arg7[%swap3A_40] {strides = array<i32>} : memref<640xf32, #tpu.memory_space<vmem>>, vector<16xf32>,
    %swap3A_42 = vector.shape_cast %swap3A_41 : vector<16xf32> to vector<16xf32>
    %swap3A_43 = vector.shape_cast %broadcast_in_dim3A_0 : vector<16xf32> to vector<16xf32>
    tpu.vector_store %arg7[%swap3A_40], %swap3A_43 {strides = array<i32>} : memref<640xf32, #tpu.memory_space<vmem>>, vector<16xf32>,
    %swap3A_44 = arith.constant 176 : index
    %swap3A_45 = tpu.vector_load %arg7[%swap3A_44] {strides = array<i32>} : memref<640xf32, #tpu.memory_space<vmem>>, vector<16xf32>,
    %swap3A_46 = vector.shape_cast %swap3A_45 : vector<16xf32> to vector<16xf32>
    %swap3A_47 = vector.shape_cast %broadcast_in_dim3A_0 : vector<16xf32> to vector<16xf32>
    tpu.vector_store %arg7[%swap3A_44], %swap3A_47 {strides = array<i32>} : memref<640xf32, #tpu.memory_space<vmem>>, vector<16xf32>,
    %swap3A_48 = arith.constant 192 : index
    %swap3A_49 = tpu.vector_load %arg7[%swap3A_48] {strides = array<i32>} : memref<640xf32, #tpu.memory_space<vmem>>, vector<16xf32>,
    %swap3A_50 = vector.shape_cast %swap3A_49 : vector<16xf32> to vector<16xf32>
    %swap3A_51 = vector.shape_cast %broadcast_in_dim3A_0 : vector<16xf32> to vector<16xf32>
    tpu.vector_store %arg7[%swap3A_48], %swap3A_51 {strides = array<i32>} : memref<640xf32, #tpu.memory_space<vmem>>, vector<16xf32>,
    %swap3A_52 = arith.constant 208 : index
    %swap3A_53 = tpu.vector_load %arg7[%swap3A_52] {strides = array<i32>} : memref<640xf32, #tpu.memory_space<vmem>>, vector<16xf32>,
    %swap3A_54 = vector.shape_cast %swap3A_53 : vector<16xf32> to vector<16xf32>
    %swap3A_55 = vector.shape_cast %broadcast_in_dim3A_0 : vector<16xf32> to vector<16xf32>
    tpu.vector_store %arg7[%swap3A_52], %swap3A_55 {strides = array<i32>} : memref<640xf32, #tpu.memory_space<vmem>>, vector<16xf32>,
    %swap3A_56 = arith.constant 224 : index
    %swap3A_57 = tpu.vector_load %arg7[%swap3A_56] {strides = array<i32>} : memref<640xf32, #tpu.memory_space<vmem>>, vector<16xf32>,
    %swap3A_58 = vector.shape_cast %swap3A_57 : vector<16xf32> to vector<16xf32>
    %swap3A_59 = vector.shape_cast %broadcast_in_dim3A_0 : vector<16xf32> to vector<16xf32>
    tpu.vector_store %arg7[%swap3A_56], %swap3A_59 {strides = array<i32>} : memref<640xf32, #tpu.memory_space<vmem>>, vector<16xf32>,
    %swap3A_60 = arith.constant 240 : index
    %swap3A_61 = tpu.vector_load %arg7[%swap3A_60] {strides = array<i32>} : memref<640xf32, #tpu.memory_space<vmem>>, vector<16xf32>,
    %swap3A_62 = vector.shape_cast %swap3A_61 : vector<16xf32> to vector<16xf32>
    %swap3A_63 = vector.shape_cast %broadcast_in_dim3A_0 : vector<16xf32> to vector<16xf32>
    tpu.vector_store %arg7[%swap3A_60], %swap3A_63 {strides = array<i32>} : memref<640xf32, #tpu.memory_space<vmem>>, vector<16xf32>,
    %swap3A_64 = arith.constant 256 : index
    %swap3A_65 = tpu.vector_load %arg7[%swap3A_64] {strides = array<i32>} : memref<640xf32, #tpu.memory_space<vmem>>, vector<16xf32>,
    %swap3A_66 = vector.shape_cast %swap3A_65 : vector<16xf32> to vector<16xf32>
    %swap3A_67 = vector.shape_cast %broadcast_in_dim3A_0 : vector<16xf32> to vector<16xf32>
    tpu.vector_store %arg7[%swap3A_64], %swap3A_67 {strides = array<i32>} : memref<640xf32, #tpu.memory_space<vmem>>, vector<16xf32>,
    %swap3A_68 = arith.constant 272 : index
    %swap3A_69 = tpu.vector_load %arg7[%swap3A_68] {strides = array<i32>} : memref<640xf32, #tpu.memory_space<vmem>>, vector<16xf32>,
    %swap3A_70 = vector.shape_cast %swap3A_69 : vector<16xf32> to vector<16xf32>
    %swap3A_71 = vector.shape_cast %broadcast_in_dim3A_0 : vector<16xf32> to vector<16xf32>
    tpu.vector_store %arg7[%swap3A_68], %swap3A_71 {strides = array<i32>} : memref<640xf32, #tpu.memory_space<vmem>>, vector<16xf32>,
    %swap3A_72 = arith.constant 288 : index
    %swap3A_73 = tpu.vector_load %arg7[%swap3A_72] {strides = array<i32>} : memref<640xf32, #tpu.memory_space<vmem>>, vector<16xf32>,
    %swap3A_74 = vector.shape_cast %swap3A_73 : vector<16xf32> to vector<16xf32>
    %swap3A_75 = vector.shape_cast %broadcast_in_dim3A_0 : vector<16xf32> to vector<16xf32>
    tpu.vector_store %arg7[%swap3A_72], %swap3A_75 {strides = array<i32>} : memref<640xf32, #tpu.memory_space<vmem>>, vector<16xf32>,
    %swap3A_76 = arith.constant 304 : index
    %swap3A_77 = tpu.vector_load %arg7[%swap3A_76] {strides = array<i32>} : memref<640xf32, #tpu.memory_space<vmem>>, vector<16xf32>,
    %swap3A_78 = vector.shape_cast %swap3A_77 : vector<16xf32> to vector<16xf32>
    %swap3A_79 = vector.shape_cast %broadcast_in_dim3A_0 : vector<16xf32> to vector<16xf32>
    tpu.vector_store %arg7[%swap3A_76], %swap3A_79 {strides = array<i32>} : memref<640xf32, #tpu.memory_space<vmem>>, vector<16xf32>,
    %swap3A_80 = arith.constant 320 : index
    %swap3A_81 = tpu.vector_load %arg7[%swap3A_80] {strides = array<i32>} : memref<640xf32, #tpu.memory_space<vmem>>, vector<16xf32>,
    %swap3A_82 = vector.shape_cast %swap3A_81 : vector<16xf32> to vector<16xf32>
    %swap3A_83 = vector.shape_cast %broadcast_in_dim3A_0 : vector<16xf32> to vector<16xf32>
    tpu.vector_store %arg7[%swap3A_80], %swap3A_83 {strides = array<i32>} : memref<640xf32, #tpu.memory_space<vmem>>, vector<16xf32>,
    %swap3A_84 = arith.constant 336 : index
    %swap3A_85 = tpu.vector_load %arg7[%swap3A_84] {strides = array<i32>} : memref<640xf32, #tpu.memory_space<vmem>>, vector<16xf32>,
    %swap3A_86 = vector.shape_cast %swap3A_85 : vector<16xf32> to vector<16xf32>
    %swap3A_87 = vector.shape_cast %broadcast_in_dim3A_0 : vector<16xf32> to vector<16xf32>
    tpu.vector_store %arg7[%swap3A_84], %swap3A_87 {strides = array<i32>} : memref<640xf32, #tpu.memory_space<vmem>>, vector<16xf32>,
    %swap3A_88 = arith.constant 352 : index
    %swap3A_89 = tpu.vector_load %arg7[%swap3A_88] {strides = array<i32>} : memref<640xf32, #tpu.memory_space<vmem>>, vector<16xf32>,
    %swap3A_90 = vector.shape_cast %swap3A_89 : vector<16xf32> to vector<16xf32>
    %swap3A_91 = vector.shape_cast %broadcast_in_dim3A_0 : vector<16xf32> to vector<16xf32>
    tpu.vector_store %arg7[%swap3A_88], %swap3A_91 {strides = array<i32>} : memref<640xf32, #tpu.memory_space<vmem>>, vector<16xf32>,
    %swap3A_92 = arith.constant 368 : index
    %swap3A_93 = tpu.vector_load %arg7[%swap3A_92] {strides = array<i32>} : memref<640xf32, #tpu.memory_space<vmem>>, vector<16xf32>,
    %swap3A_94 = vector.shape_cast %swap3A_93 : vector<16xf32> to vector<16xf32>
    %swap3A_95 = vector.shape_cast %broadcast_in_dim3A_0 : vector<16xf32> to vector<16xf32>
    tpu.vector_store %arg7[%swap3A_92], %swap3A_95 {strides = array<i32>} : memref<640xf32, #tpu.memory_space<vmem>>, vector<16xf32>,
    %swap3A_96 = arith.constant 384 : index
    %swap3A_97 = tpu.vector_load %arg7[%swap3A_96] {strides = array<i32>} : memref<640xf32, #tpu.memory_space<vmem>>, vector<16xf32>,
    %swap3A_98 = vector.shape_cast %swap3A_97 : vector<16xf32> to vector<16xf32>
    %swap3A_99 = vector.shape_cast %broadcast_in_dim3A_0 : vector<16xf32> to vector<16xf32>
    tpu.vector_store %arg7[%swap3A_96], %swap3A_99 {strides = array<i32>} : memref<640xf32, #tpu.memory_space<vmem>>, vector<16xf32>,
    %swap3A_100 = arith.constant 400 : index
    %swap3A_101 = tpu.vector_load %arg7[%swap3A_100] {strides = array<i32>} : memref<640xf32, #tpu.memory_space<vmem>>, vector<16xf32>,
    %swap3A_102 = vector.shape_cast %swap3A_101 : vector<16xf32> to vector<16xf32>
    %swap3A_103 = vector.shape_cast %broadcast_in_dim3A_0 : vector<16xf32> to vector<16xf32>
    tpu.vector_store %arg7[%swap3A_100], %swap3A_103 {strides = array<i32>} : memref<640xf32, #tpu.memory_space<vmem>>, vector<16xf32>,
    %swap3A_104 = arith.constant 416 : index
    %swap3A_105 = tpu.vector_load %arg7[%swap3A_104] {strides = array<i32>} : memref<640xf32, #tpu.memory_space<vmem>>, vector<16xf32>,
    %swap3A_106 = vector.shape_cast %swap3A_105 : vector<16xf32> to vector<16xf32>
    %swap3A_107 = vector.shape_cast %broadcast_in_dim3A_0 : vector<16xf32> to vector<16xf32>
    tpu.vector_store %arg7[%swap3A_104], %swap3A_107 {strides = array<i32>} : memref<640xf32, #tpu.memory_space<vmem>>, vector<16xf32>,
    %swap3A_108 = arith.constant 432 : index
    %swap3A_109 = tpu.vector_load %arg7[%swap3A_108] {strides = array<i32>} : memref<640xf32, #tpu.memory_space<vmem>>, vector<16xf32>,
    %swap3A_110 = vector.shape_cast %swap3A_109 : vector<16xf32> to vector<16xf32>
    %swap3A_111 = vector.shape_cast %broadcast_in_dim3A_0 : vector<16xf32> to vector<16xf32>
    tpu.vector_store %arg7[%swap3A_108], %swap3A_111 {strides = array<i32>} : memref<640xf32, #tpu.memory_space<vmem>>, vector<16xf32>,
    %swap3A_112 = arith.constant 448 : index
    %swap3A_113 = tpu.vector_load %arg7[%swap3A_112] {strides = array<i32>} : memref<640xf32, #tpu.memory_space<vmem>>, vector<16xf32>,
    %swap3A_114 = vector.shape_cast %swap3A_113 : vector<16xf32> to vector<16xf32>
    %swap3A_115 = vector.shape_cast %broadcast_in_dim3A_0 : vector<16xf32> to vector<16xf32>
    tpu.vector_store %arg7[%swap3A_112], %swap3A_115 {strides = array<i32>} : memref<640xf32, #tpu.memory_space<vmem>>, vector<16xf32>,
    %swap3A_116 = arith.constant 464 : index
    %swap3A_117 = tpu.vector_load %arg7[%swap3A_116] {strides = array<i32>} : memref<640xf32, #tpu.memory_space<vmem>>, vector<16xf32>,
    %swap3A_118 = vector.shape_cast %swap3A_117 : vector<16xf32> to vector<16xf32>
    %swap3A_119 = vector.shape_cast %broadcast_in_dim3A_0 : vector<16xf32> to vector<16xf32>
    tpu.vector_store %arg7[%swap3A_116], %swap3A_119 {strides = array<i32>} : memref<640xf32, #tpu.memory_space<vmem>>, vector<16xf32>,
    %swap3A_120 = arith.constant 480 : index
    %swap3A_121 = tpu.vector_load %arg7[%swap3A_120] {strides = array<i32>} : memref<640xf32, #tpu.memory_space<vmem>>, vector<16xf32>,
    %swap3A_122 = vector.shape_cast %swap3A_121 : vector<16xf32> to vector<16xf32>
    %swap3A_123 = vector.shape_cast %broadcast_in_dim3A_0 : vector<16xf32> to vector<16xf32>
    tpu.vector_store %arg7[%swap3A_120], %swap3A_123 {strides = array<i32>} : memref<640xf32, #tpu.memory_space<vmem>>, vector<16xf32>,
    %swap3A_124 = arith.constant 496 : index
    %swap3A_125 = tpu.vector_load %arg7[%swap3A_124] {strides = array<i32>} : memref<640xf32, #tpu.memory_space<vmem>>, vector<16xf32>,
    %swap3A_126 = vector.shape_cast %swap3A_125 : vector<16xf32> to vector<16xf32>
    %swap3A_127 = vector.shape_cast %broadcast_in_dim3A_0 : vector<16xf32> to vector<16xf32>
    tpu.vector_store %arg7[%swap3A_124], %swap3A_127 {strides = array<i32>} : memref<640xf32, #tpu.memory_space<vmem>>, vector<16xf32>,
    %swap3A_128 = arith.constant 512 : index
    %swap3A_129 = tpu.vector_load %arg7[%swap3A_128] {strides = array<i32>} : memref<640xf32, #tpu.memory_space<vmem>>, vector<16xf32>,
    %swap3A_130 = vector.shape_cast %swap3A_129 : vector<16xf32> to vector<16xf32>
    %swap3A_131 = vector.shape_cast %broadcast_in_dim3A_0 : vector<16xf32> to vector<16xf32>
    tpu.vector_store %arg7[%swap3A_128], %swap3A_131 {strides = array<i32>} : memref<640xf32, #tpu.memory_space<vmem>>, vector<16xf32>,
    %swap3A_132 = arith.constant 528 : index
    %swap3A_133 = tpu.vector_load %arg7[%swap3A_132] {strides = array<i32>} : memref<640xf32, #tpu.memory_space<vmem>>, vector<16xf32>,
    %swap3A_134 = vector.shape_cast %swap3A_133 : vector<16xf32> to vector<16xf32>
    %swap3A_135 = vector.shape_cast %broadcast_in_dim3A_0 : vector<16xf32> to vector<16xf32>
    tpu.vector_store %arg7[%swap3A_132], %swap3A_135 {strides = array<i32>} : memref<640xf32, #tpu.memory_space<vmem>>, vector<16xf32>,
    %swap3A_136 = arith.constant 544 : index
    %swap3A_137 = tpu.vector_load %arg7[%swap3A_136] {strides = array<i32>} : memref<640xf32, #tpu.memory_space<vmem>>, vector<16xf32>,
    %swap3A_138 = vector.shape_cast %swap3A_137 : vector<16xf32> to vector<16xf32>
    %swap3A_139 = vector.shape_cast %broadcast_in_dim3A_0 : vector<16xf32> to vector<16xf32>
    tpu.vector_store %arg7[%swap3A_136], %swap3A_139 {strides = array<i32>} : memref<640xf32, #tpu.memory_space<vmem>>, vector<16xf32>,
    %swap3A_140 = arith.constant 560 : index
    %swap3A_141 = tpu.vector_load %arg7[%swap3A_140] {strides = array<i32>} : memref<640xf32, #tpu.memory_space<vmem>>, vector<16xf32>,
    %swap3A_142 = vector.shape_cast %swap3A_141 : vector<16xf32> to vector<16xf32>
    %swap3A_143 = vector.shape_cast %broadcast_in_dim3A_0 : vector<16xf32> to vector<16xf32>
    tpu.vector_store %arg7[%swap3A_140], %swap3A_143 {strides = array<i32>} : memref<640xf32, #tpu.memory_space<vmem>>, vector<16xf32>,
    %swap3A_144 = arith.constant 576 : index
    %swap3A_145 = tpu.vector_load %arg7[%swap3A_144] {strides = array<i32>} : memref<640xf32, #tpu.memory_space<vmem>>, vector<16xf32>,
    %swap3A_146 = vector.shape_cast %swap3A_145 : vector<16xf32> to vector<16xf32>
    %swap3A_147 = vector.shape_cast %broadcast_in_dim3A_0 : vector<16xf32> to vector<16xf32>
    tpu.vector_store %arg7[%swap3A_144], %swap3A_147 {strides = array<i32>} : memref<640xf32, #tpu.memory_space<vmem>>, vector<16xf32>,
    %swap3A_148 = arith.constant 592 : index
    %swap3A_149 = tpu.vector_load %arg7[%swap3A_148] {strides = array<i32>} : memref<640xf32, #tpu.memory_space<vmem>>, vector<16xf32>,
    %swap3A_150 = vector.shape_cast %swap3A_149 : vector<16xf32> to vector<16xf32>
    %swap3A_151 = vector.shape_cast %broadcast_in_dim3A_0 : vector<16xf32> to vector<16xf32>
    tpu.vector_store %arg7[%swap3A_148], %swap3A_151 {strides = array<i32>} : memref<640xf32, #tpu.memory_space<vmem>>, vector<16xf32>,
    %swap3A_152 = arith.constant 608 : index
    %swap3A_153 = tpu.vector_load %arg7[%swap3A_152] {strides = array<i32>} : memref<640xf32, #tpu.memory_space<vmem>>, vector<16xf32>,
    %swap3A_154 = vector.shape_cast %swap3A_153 : vector<16xf32> to vector<16xf32>
    %swap3A_155 = vector.shape_cast %broadcast_in_dim3A_0 : vector<16xf32> to vector<16xf32>
    tpu.vector_store %arg7[%swap3A_152], %swap3A_155 {strides = array<i32>} : memref<640xf32, #tpu.memory_space<vmem>>, vector<16xf32>,
    %swap3A_156 = arith.constant 624 : index
    %swap3A_157 = tpu.vector_load %arg7[%swap3A_156] {strides = array<i32>} : memref<640xf32, #tpu.memory_space<vmem>>, vector<16xf32>,
    %swap3A_158 = vector.shape_cast %swap3A_157 : vector<16xf32> to vector<16xf32>
    %swap3A_159 = vector.shape_cast %broadcast_in_dim3A_0 : vector<16xf32> to vector<16xf32>
    tpu.vector_store %arg7[%swap3A_156], %swap3A_159 {strides = array<i32>} : memref<640xf32, #tpu.memory_space<vmem>>, vector<16xf32>,
    %mul3A = arith.constant 640 : i32
    %mul3A_160 = arith.muli %arg1, %mul3A : i32
    "tpu.region"() ({
      %run_scoped3A = tpu.sem_alloc : memref<!tpu.dma_semaphore, #tpu.memory_space<semaphore_mem>>
      %dma_start3A = tpu.memref_slice %arg8[%mul3A_160] : memref<10240xf32, #tpu.memory_space<vmem_shared>> -> memref<640xf32, #tpu.memory_space<vmem_shared>>
      %dma_start3A_175 = tpu.memref_slice %arg8[%mul3A_160] : memref<10240xf32, #tpu.memory_space<vmem_shared>> -> memref<640xf32, #tpu.memory_space<vmem_shared>>
      tpu.enqueue_dma source(%arg7 : memref<640xf32, #tpu.memory_space<vmem>>) target(%dma_start3A_175 : memref<640xf32, #tpu.memory_space<vmem_shared>>) target_semaphore(%run_scoped3A : memref<!tpu.dma_semaphore, #tpu.memory_space<semaphore_mem>>)
      %dma_wait3A = tpu.memref_slice %arg8[%mul3A_160] : memref<10240xf32, #tpu.memory_space<vmem_shared>> -> memref<640xf32, #tpu.memory_space<vmem_shared>>
      %dma_wait3A_176 = tpu.memref_slice %arg8[%mul3A_160] : memref<10240xf32, #tpu.memory_space<vmem_shared>> -> memref<640xf32, #tpu.memory_space<vmem_shared>>
      tpu.wait_dma2 semaphore(%run_scoped3A : memref<!tpu.dma_semaphore, #tpu.memory_space<semaphore_mem>>) src(%arg7 : memref<640xf32, #tpu.memory_space<vmem>>) dst(%dma_wait3A_176 : memref<640xf32, #tpu.memory_space<vmem_shared>>)
      tpu.yield
    }) : () -> ()
    "tpu.region"() ({
      %run_scoped3A = tpu.sem_alloc : memref<!tpu.dma_semaphore, #tpu.memory_space<semaphore_mem>>
      tpu.enqueue_dma source(%arg3 : memref<128xf32, #tpu.memory_space<hbm>>) target(%arg6 : memref<128xf32, #tpu.memory_space<vmem>>) target_semaphore(%run_scoped3A : memref<!tpu.dma_semaphore, #tpu.memory_space<semaphore_mem>>)
      tpu.wait_dma2 semaphore(%run_scoped3A : memref<!tpu.dma_semaphore, #tpu.memory_space<semaphore_mem>>) src(%arg3 : memref<128xf32, #tpu.memory_space<hbm>>) dst(%arg6 : memref<128xf32, #tpu.memory_space<vmem>>)
      tpu.yield
    }) : () -> ()
    %mul3A_161 = arith.constant 1280 : i32
    %mul3A_162 = arith.muli %arg0, %mul3A_161 : i32
    %mul3A_163 = arith.constant 80 : i32
    %mul3A_164 = arith.muli %arg1, %mul3A_163 : i32
    %add3A = arith.addi %mul3A_162, %mul3A_164 : i32
    "tpu.region"() ({
      %run_scoped3A = tpu.sem_alloc : memref<!tpu.dma_semaphore, #tpu.memory_space<semaphore_mem>>
      %dma_start3A = arith.constant 0 : i32
      %dma_start3A_175 = tpu.memref_slice %arg2[%add3A, %dma_start3A] : memref<2560x128xi32, #tpu.memory_space<hbm>> -> memref<80x128xi32, #tpu.memory_space<hbm>>
      %dma_start3A_176 = arith.constant 0 : i32
      %dma_start3A_177 = tpu.memref_slice %arg2[%add3A, %dma_start3A_176] : memref<2560x128xi32, #tpu.memory_space<hbm>> -> memref<80x128xi32, #tpu.memory_space<hbm>>
      tpu.enqueue_dma source(%dma_start3A_177 : memref<80x128xi32, #tpu.memory_space<hbm>>) target(%arg5 : memref<80x128xi32, #tpu.memory_space<vmem>>) target_semaphore(%run_scoped3A : memref<!tpu.dma_semaphore, #tpu.memory_space<semaphore_mem>>)
      %dma_wait3A = arith.constant 0 : i32
      %dma_wait3A_178 = tpu.memref_slice %arg2[%add3A, %dma_wait3A] : memref<2560x128xi32, #tpu.memory_space<hbm>> -> memref<80x128xi32, #tpu.memory_space<hbm>>
      %dma_wait3A_179 = arith.constant 0 : i32
      %dma_wait3A_180 = tpu.memref_slice %arg2[%add3A, %dma_wait3A_179] : memref<2560x128xi32, #tpu.memory_space<hbm>> -> memref<80x128xi32, #tpu.memory_space<hbm>>
      tpu.wait_dma2 semaphore(%run_scoped3A : memref<!tpu.dma_semaphore, #tpu.memory_space<semaphore_mem>>) src(%dma_wait3A_180 : memref<80x128xi32, #tpu.memory_space<hbm>>) dst(%arg5 : memref<80x128xi32, #tpu.memory_space<vmem>>)
      tpu.yield
    }) : () -> ()
    %barrier3A = arith.constant 0 : index
    tpu.barrier barrier_id(%barrier3A)
    %scan3A = arith.constant 0 : i32
    %scan3A_165 = arith.constant 0 : i32
    %scan3A_166 = arith.constant 80 : i32
    %scan3A_167 = arith.addi %scan3A_165, %scan3A_166 : i32
    %scan3A_168 = arith.constant 1 : i32
    scf.for %scan3A_175 = %scan3A_165 to %scan3A_167 step %scan3A_168  : i32 {
      "tpu.region"() ({
        %run_scoped3A = tpu.sem_alloc : memref<!tpu.dma_semaphore, #tpu.memory_space<semaphore_mem>>
        %dma_start3A = arith.constant 0 : i32
        %dma_start3A_176 = tpu.memref_slice %arg5[%scan3A_175, %dma_start3A] : memref<80x128xi32, #tpu.memory_space<vmem>> -> memref<1x128xi32, #tpu.memory_space<vmem>>
        %dma_start3A_177 = tpu.memref_squeeze %dma_start3A_176 : memref<1x128xi32, #tpu.memory_space<vmem>> -> memref<128xi32, #tpu.memory_space<vmem>>
        %dma_start3A_178 = arith.constant 0 : i32
        %dma_start3A_179 = tpu.memref_slice %arg8[%dma_start3A_178] : memref<10240xf32, #tpu.memory_space<vmem_shared>> -> memref<10240xf32, #tpu.memory_space<vmem_shared>>
        tpu.enqueue_indirect_dma source(%arg6 : memref<128xf32, #tpu.memory_space<vmem>>) target(%dma_start3A_179 : memref<10240xf32, #tpu.memory_space<vmem_shared>>) offsets(%dma_start3A_177 : memref<128xi32, #tpu.memory_space<vmem>>) semaphore(%run_scoped3A : memref<!tpu.dma_semaphore, #tpu.memory_space<semaphore_mem>>) {add = true}
        %dma_wait3A = arith.constant 0 : i32
        %dma_wait3A_180 = tpu.memref_slice %arg5[%scan3A_175, %dma_wait3A] : memref<80x128xi32, #tpu.memory_space<vmem>> -> memref<1x128xi32, #tpu.memory_space<vmem>>
        %dma_wait3A_181 = tpu.memref_squeeze %dma_wait3A_180 : memref<1x128xi32, #tpu.memory_space<vmem>> -> memref<128xi32, #tpu.memory_space<vmem>>
        %dma_wait3A_182 = arith.constant 0 : i32
        %dma_wait3A_183 = tpu.memref_slice %arg8[%dma_wait3A_182] : memref<10240xf32, #tpu.memory_space<vmem_shared>> -> memref<10240xf32, #tpu.memory_space<vmem_shared>>
        tpu.wait_indirect_dma semaphore(%run_scoped3A : memref<!tpu.dma_semaphore, #tpu.memory_space<semaphore_mem>>) src(%arg6 : memref<128xf32, #tpu.memory_space<vmem>>) dst(%dma_wait3A_183 : memref<10240xf32, #tpu.memory_space<vmem_shared>>)
        tpu.yield
      }) : () -> ()
    }
    %scan3A_169 = arith.constant 80 : i32
    %barrier3A_170 = arith.constant 0 : index
    tpu.barrier barrier_id(%barrier3A_170)
    %mul3A_171 = arith.constant 640 : i32
    %mul3A_172 = arith.muli %arg1, %mul3A_171 : i32
    %mul3A_173 = arith.constant 640 : i32
    %mul3A_174 = arith.muli %arg1, %mul3A_173 : i32
    "tpu.region"() ({
      %run_scoped3A = tpu.sem_alloc : memref<!tpu.dma_semaphore, #tpu.memory_space<semaphore_mem>>
      %dma_start3A = tpu.memref_slice %arg4[%arg0, %mul3A_174] : memref<2x10240xf32, #tpu.memory_space<hbm>> -> memref<1x640xf32, #tpu.memory_space<hbm>>
      %dma_start3A_175 = tpu.memref_squeeze %dma_start3A : memref<1x640xf32, #tpu.memory_space<hbm>> -> memref<640xf32, #tpu.memory_space<hbm>>
      %dma_start3A_176 = tpu.memref_slice %arg8[%mul3A_172] : memref<10240xf32, #tpu.memory_space<vmem_shared>> -> memref<640xf32, #tpu.memory_space<vmem_shared>>
      tpu.enqueue_dma source(%dma_start3A_176 : memref<640xf32, #tpu.memory_space<vmem_shared>>) target(%dma_start3A_175 : memref<640xf32, #tpu.memory_space<hbm>>) target_semaphore(%run_scoped3A : memref<!tpu.dma_semaphore, #tpu.memory_space<semaphore_mem>>)
      %dma_wait3A = tpu.memref_slice %arg4[%arg0, %mul3A_174] : memref<2x10240xf32, #tpu.memory_space<hbm>> -> memref<1x640xf32, #tpu.memory_space<hbm>>
      %dma_wait3A_177 = tpu.memref_squeeze %dma_wait3A : memref<1x640xf32, #tpu.memory_space<hbm>> -> memref<640xf32, #tpu.memory_space<hbm>>
      %dma_wait3A_178 = tpu.memref_slice %arg8[%mul3A_172] : memref<10240xf32, #tpu.memory_space<vmem_shared>> -> memref<640xf32, #tpu.memory_space<vmem_shared>>
      tpu.wait_dma2 semaphore(%run_scoped3A : memref<!tpu.dma_semaphore, #tpu.memory_space<semaphore_mem>>) src(%dma_wait3A_178 : memref<640xf32, #tpu.memory_space<vmem_shared>>) dst(%dma_wait3A_177 : memref<640xf32, #tpu.memory_space<hbm>>)
      tpu.yield
    }) : () -> ()
    return
  }
}

#map = affine_map<(d0, d1) -> (0, 0)>
#map1 = affine_map<(d0, d1) -> (0, 0, 0)>
module attributes {stable_mosaic.version = 14 : i64} {
  func.func @_sc_aggregate(%arg0: i32, %arg1: i32, %arg2: memref<20480x128xf32, #tpu.memory_space<hbm>>, %arg3: memref<2x2560x128xi32, #tpu.memory_space<hbm>>, %arg4: memref<2560x128xi32, #tpu.memory_space<hbm>>, %arg5: memref<10240x128xf32, #tpu.memory_space<hbm>>, %arg6: memref<2x10240x128xf32, #tpu.memory_space<hbm>>, %arg7: memref<40x128xi32, #tpu.memory_space<vmem>>, %arg8: memref<40x128xi32, #tpu.memory_space<vmem>>, %arg9: memref<128x128xf32, #tpu.memory_space<vmem>>, %arg10: memref<128x128xf32, #tpu.memory_space<vmem>>, %arg11: memref<10240x128xf32, #tpu.memory_space<vmem_shared>>, %arg12: memref<!tpu.dma_semaphore, #tpu.memory_space<semaphore_mem>>, %arg13: memref<!tpu.dma_semaphore, #tpu.memory_space<semaphore_mem>>) attributes {dimension_semantics = [#tpu.dimension_semantics<core_parallel>, #tpu.dimension_semantics<subcore_parallel>], iteration_bounds = array<i64: 2, 16>, scalar_prefetch = 0 : i64, scratch_operands = 7 : i64, tpu.core_type = #tpu.core_type<sc_vector_subcore>, window_params = [{transform_indices = #map}, {transform_indices = #map1}, {transform_indices = #map}, {transform_indices = #map}, {transform_indices = #map1}]} {
    %mul3A = arith.constant 640 : i32
    %mul3A_0 = arith.muli %arg1, %mul3A : i32
    "tpu.region"() ({
      %run_scoped3A = tpu.sem_alloc : memref<!tpu.dma_semaphore, #tpu.memory_space<semaphore_mem>>
      %dma_start3A = arith.constant 0 : i32
      %dma_start3A_9 = tpu.memref_slice %arg11[%mul3A_0, %dma_start3A] : memref<10240x128xf32, #tpu.memory_space<vmem_shared>> -> memref<640x128xf32, #tpu.memory_space<vmem_shared>>
      %dma_start3A_10 = arith.constant 0 : i32
      %dma_start3A_11 = tpu.memref_slice %arg5[%mul3A_0, %dma_start3A_10] : memref<10240x128xf32, #tpu.memory_space<hbm>> -> memref<640x128xf32, #tpu.memory_space<hbm>>
      tpu.enqueue_dma source(%dma_start3A_11 : memref<640x128xf32, #tpu.memory_space<hbm>>) target(%dma_start3A_9 : memref<640x128xf32, #tpu.memory_space<vmem_shared>>) target_semaphore(%run_scoped3A : memref<!tpu.dma_semaphore, #tpu.memory_space<semaphore_mem>>)
      %dma_wait3A = arith.constant 0 : i32
      %dma_wait3A_12 = tpu.memref_slice %arg11[%mul3A_0, %dma_wait3A] : memref<10240x128xf32, #tpu.memory_space<vmem_shared>> -> memref<640x128xf32, #tpu.memory_space<vmem_shared>>
      %dma_wait3A_13 = arith.constant 0 : i32
      %dma_wait3A_14 = tpu.memref_slice %arg5[%mul3A_0, %dma_wait3A_13] : memref<10240x128xf32, #tpu.memory_space<hbm>> -> memref<640x128xf32, #tpu.memory_space<hbm>>
      tpu.wait_dma2 semaphore(%run_scoped3A : memref<!tpu.dma_semaphore, #tpu.memory_space<semaphore_mem>>) src(%dma_wait3A_14 : memref<640x128xf32, #tpu.memory_space<hbm>>) dst(%dma_wait3A_12 : memref<640x128xf32, #tpu.memory_space<vmem_shared>>)
      tpu.yield
    }) : () -> ()
    %mul3A_1 = arith.constant 160 : i32
    %mul3A_2 = arith.muli %arg1, %mul3A_1 : i32
    %barrier3A = arith.constant 0 : index
    tpu.barrier barrier_id(%barrier3A)
    %scan3A = arith.constant 0 : i32
    %scan3A_3 = arith.constant 0 : i32
    %scan3A_4 = arith.constant 4 : i32
    %scan3A_5 = arith.addi %scan3A_3, %scan3A_4 : i32
    %scan3A_6 = arith.constant 1 : i32
    scf.for %scan3A_9 = %scan3A_3 to %scan3A_5 step %scan3A_6  : i32 {
      %mul3A_10 = arith.constant 40 : i32
      %mul3A_11 = arith.muli %scan3A_9, %mul3A_10 : i32
      %add3A = arith.addi %mul3A_2, %mul3A_11 : i32
      "tpu.region"() ({
        %run_scoped3A = tpu.sem_alloc : memref<!tpu.dma_semaphore, #tpu.memory_space<semaphore_mem>>
        %dma_start3A_27 = arith.constant 0 : i32
        %dma_start3A_28 = tpu.memref_slice %arg3[%arg0, %add3A, %dma_start3A_27] : memref<2x2560x128xi32, #tpu.memory_space<hbm>> -> memref<1x40x128xi32, #tpu.memory_space<hbm>>
        %dma_start3A_29 = tpu.memref_squeeze %dma_start3A_28 : memref<1x40x128xi32, #tpu.memory_space<hbm>> -> memref<40x128xi32, #tpu.memory_space<hbm>>
        %dma_start3A_30 = arith.constant 0 : i32
        %dma_start3A_31 = tpu.memref_slice %arg3[%arg0, %add3A, %dma_start3A_30] : memref<2x2560x128xi32, #tpu.memory_space<hbm>> -> memref<1x40x128xi32, #tpu.memory_space<hbm>>
        %dma_start3A_32 = tpu.memref_squeeze %dma_start3A_31 : memref<1x40x128xi32, #tpu.memory_space<hbm>> -> memref<40x128xi32, #tpu.memory_space<hbm>>
        tpu.enqueue_dma source(%dma_start3A_32 : memref<40x128xi32, #tpu.memory_space<hbm>>) target(%arg7 : memref<40x128xi32, #tpu.memory_space<vmem>>) target_semaphore(%run_scoped3A : memref<!tpu.dma_semaphore, #tpu.memory_space<semaphore_mem>>)
        %dma_wait3A = arith.constant 0 : i32
        %dma_wait3A_33 = tpu.memref_slice %arg3[%arg0, %add3A, %dma_wait3A] : memref<2x2560x128xi32, #tpu.memory_space<hbm>> -> memref<1x40x128xi32, #tpu.memory_space<hbm>>
        %dma_wait3A_34 = tpu.memref_squeeze %dma_wait3A_33 : memref<1x40x128xi32, #tpu.memory_space<hbm>> -> memref<40x128xi32, #tpu.memory_space<hbm>>
        %dma_wait3A_35 = arith.constant 0 : i32
        %dma_wait3A_36 = tpu.memref_slice %arg3[%arg0, %add3A, %dma_wait3A_35] : memref<2x2560x128xi32, #tpu.memory_space<hbm>> -> memref<1x40x128xi32, #tpu.memory_space<hbm>>
        %dma_wait3A_37 = tpu.memref_squeeze %dma_wait3A_36 : memref<1x40x128xi32, #tpu.memory_space<hbm>> -> memref<40x128xi32, #tpu.memory_space<hbm>>
        tpu.wait_dma2 semaphore(%run_scoped3A : memref<!tpu.dma_semaphore, #tpu.memory_space<semaphore_mem>>) src(%dma_wait3A_37 : memref<40x128xi32, #tpu.memory_space<hbm>>) dst(%arg7 : memref<40x128xi32, #tpu.memory_space<vmem>>)
        tpu.yield
      }) : () -> ()
      %mul3A_12 = arith.constant 40 : i32
      %mul3A_13 = arith.muli %scan3A_9, %mul3A_12 : i32
      %add3A_14 = arith.addi %mul3A_2, %mul3A_13 : i32
      "tpu.region"() ({
        %run_scoped3A = tpu.sem_alloc : memref<!tpu.dma_semaphore, #tpu.memory_space<semaphore_mem>>
        %dma_start3A_27 = arith.constant 0 : i32
        %dma_start3A_28 = tpu.memref_slice %arg4[%add3A_14, %dma_start3A_27] : memref<2560x128xi32, #tpu.memory_space<hbm>> -> memref<40x128xi32, #tpu.memory_space<hbm>>
        %dma_start3A_29 = arith.constant 0 : i32
        %dma_start3A_30 = tpu.memref_slice %arg4[%add3A_14, %dma_start3A_29] : memref<2560x128xi32, #tpu.memory_space<hbm>> -> memref<40x128xi32, #tpu.memory_space<hbm>>
        tpu.enqueue_dma source(%dma_start3A_30 : memref<40x128xi32, #tpu.memory_space<hbm>>) target(%arg8 : memref<40x128xi32, #tpu.memory_space<vmem>>) target_semaphore(%run_scoped3A : memref<!tpu.dma_semaphore, #tpu.memory_space<semaphore_mem>>)
        %dma_wait3A = arith.constant 0 : i32
        %dma_wait3A_31 = tpu.memref_slice %arg4[%add3A_14, %dma_wait3A] : memref<2560x128xi32, #tpu.memory_space<hbm>> -> memref<40x128xi32, #tpu.memory_space<hbm>>
        %dma_wait3A_32 = arith.constant 0 : i32
        %dma_wait3A_33 = tpu.memref_slice %arg4[%add3A_14, %dma_wait3A_32] : memref<2560x128xi32, #tpu.memory_space<hbm>> -> memref<40x128xi32, #tpu.memory_space<hbm>>
        tpu.wait_dma2 semaphore(%run_scoped3A : memref<!tpu.dma_semaphore, #tpu.memory_space<semaphore_mem>>) src(%dma_wait3A_33 : memref<40x128xi32, #tpu.memory_space<hbm>>) dst(%arg8 : memref<40x128xi32, #tpu.memory_space<vmem>>)
        tpu.yield
      }) : () -> ()
      %dma_start3A = arith.constant 0 : i32
      %dma_start3A_15 = arith.constant 0 : i32
      %dma_start3A_16 = tpu.memref_slice %arg7[%dma_start3A, %dma_start3A_15] : memref<40x128xi32, #tpu.memory_space<vmem>> -> memref<1x128xi32, #tpu.memory_space<vmem>>
      %dma_start3A_17 = tpu.memref_squeeze %dma_start3A_16 : memref<1x128xi32, #tpu.memory_space<vmem>> -> memref<128xi32, #tpu.memory_space<vmem>>
      %dma_start3A_18 = arith.constant 0 : i32
      %dma_start3A_19 = arith.constant 0 : i32
      %dma_start3A_20 = tpu.memref_slice %arg2[%dma_start3A_18, %dma_start3A_19] : memref<20480x128xf32, #tpu.memory_space<hbm>> -> memref<20480x128xf32, #tpu.memory_space<hbm>>
      tpu.enqueue_indirect_dma source(%dma_start3A_20 : memref<20480x128xf32, #tpu.memory_space<hbm>>) target(%arg9 : memref<128x128xf32, #tpu.memory_space<vmem>>) offsets(%dma_start3A_17 : memref<128xi32, #tpu.memory_space<vmem>>) semaphore(%arg12 : memref<!tpu.dma_semaphore, #tpu.memory_space<semaphore_mem>>)
      %scan3A_21 = arith.constant 0 : i32
      %scan3A_22 = arith.constant 0 : i32
      %scan3A_23 = arith.constant 20 : i32
      %scan3A_24 = arith.addi %scan3A_22, %scan3A_23 : i32
      %scan3A_25 = arith.constant 1 : i32
      scf.for %scan3A_27 = %scan3A_22 to %scan3A_24 step %scan3A_25  : i32 {
        %mul3A_28 = arith.constant 2 : i32
        %mul3A_29 = arith.muli %mul3A_28, %scan3A_27 : i32
        %add3A_30 = arith.constant 1 : i32
        %add3A_31 = arith.addi %mul3A_29, %add3A_30 : i32
        %dma_wait3A = arith.constant 0 : i32
        %dma_wait3A_32 = arith.constant 0 : i32
        %dma_wait3A_33 = tpu.memref_slice %arg5[%dma_wait3A, %dma_wait3A_32] : memref<10240x128xf32, #tpu.memory_space<hbm>> -> memref<128x128xf32, #tpu.memory_space<hbm>>
        %dma_wait3A_34 = arith.constant 0 : i32
        %dma_wait3A_35 = arith.constant 0 : i32
        %dma_wait3A_36 = tpu.memref_slice %arg5[%dma_wait3A_34, %dma_wait3A_35] : memref<10240x128xf32, #tpu.memory_space<hbm>> -> memref<128x128xf32, #tpu.memory_space<hbm>>
        tpu.wait_dma2 semaphore(%arg12 : memref<!tpu.dma_semaphore, #tpu.memory_space<semaphore_mem>>) src(%dma_wait3A_36 : memref<128x128xf32, #tpu.memory_space<hbm>>) dst(%arg9 : memref<128x128xf32, #tpu.memory_space<vmem>>)
        %dma_start3A_37 = arith.constant 0 : i32
        %dma_start3A_38 = tpu.memref_slice %arg7[%add3A_31, %dma_start3A_37] : memref<40x128xi32, #tpu.memory_space<vmem>> -> memref<1x128xi32, #tpu.memory_space<vmem>>
        %dma_start3A_39 = tpu.memref_squeeze %dma_start3A_38 : memref<1x128xi32, #tpu.memory_space<vmem>> -> memref<128xi32, #tpu.memory_space<vmem>>
        %dma_start3A_40 = arith.constant 0 : i32
        %dma_start3A_41 = arith.constant 0 : i32
        %dma_start3A_42 = tpu.memref_slice %arg2[%dma_start3A_40, %dma_start3A_41] : memref<20480x128xf32, #tpu.memory_space<hbm>> -> memref<20480x128xf32, #tpu.memory_space<hbm>>
        tpu.enqueue_indirect_dma source(%dma_start3A_42 : memref<20480x128xf32, #tpu.memory_space<hbm>>) target(%arg10 : memref<128x128xf32, #tpu.memory_space<vmem>>) offsets(%dma_start3A_39 : memref<128xi32, #tpu.memory_space<vmem>>) semaphore(%arg13 : memref<!tpu.dma_semaphore, #tpu.memory_space<semaphore_mem>>)
        "tpu.region"() ({
          %run_scoped3A = tpu.sem_alloc : memref<!tpu.dma_semaphore, #tpu.memory_space<semaphore_mem>>
          %dma_start3A_51 = arith.constant 0 : i32
          %dma_start3A_52 = tpu.memref_slice %arg8[%mul3A_29, %dma_start3A_51] : memref<40x128xi32, #tpu.memory_space<vmem>> -> memref<1x128xi32, #tpu.memory_space<vmem>>
          %dma_start3A_53 = tpu.memref_squeeze %dma_start3A_52 : memref<1x128xi32, #tpu.memory_space<vmem>> -> memref<128xi32, #tpu.memory_space<vmem>>
          %dma_start3A_54 = arith.constant 0 : i32
          %dma_start3A_55 = arith.constant 0 : i32
          %dma_start3A_56 = tpu.memref_slice %arg11[%dma_start3A_54, %dma_start3A_55] : memref<10240x128xf32, #tpu.memory_space<vmem_shared>> -> memref<10240x128xf32, #tpu.memory_space<vmem_shared>>
          tpu.enqueue_indirect_dma source(%arg9 : memref<128x128xf32, #tpu.memory_space<vmem>>) target(%dma_start3A_56 : memref<10240x128xf32, #tpu.memory_space<vmem_shared>>) offsets(%dma_start3A_53 : memref<128xi32, #tpu.memory_space<vmem>>) semaphore(%run_scoped3A : memref<!tpu.dma_semaphore, #tpu.memory_space<semaphore_mem>>) {add = true}
          %dma_wait3A_57 = arith.constant 0 : i32
          %dma_wait3A_58 = tpu.memref_slice %arg8[%mul3A_29, %dma_wait3A_57] : memref<40x128xi32, #tpu.memory_space<vmem>> -> memref<1x128xi32, #tpu.memory_space<vmem>>
          %dma_wait3A_59 = tpu.memref_squeeze %dma_wait3A_58 : memref<1x128xi32, #tpu.memory_space<vmem>> -> memref<128xi32, #tpu.memory_space<vmem>>
          %dma_wait3A_60 = arith.constant 0 : i32
          %dma_wait3A_61 = arith.constant 0 : i32
          %dma_wait3A_62 = tpu.memref_slice %arg11[%dma_wait3A_60, %dma_wait3A_61] : memref<10240x128xf32, #tpu.memory_space<vmem_shared>> -> memref<10240x128xf32, #tpu.memory_space<vmem_shared>>
          tpu.wait_indirect_dma semaphore(%run_scoped3A : memref<!tpu.dma_semaphore, #tpu.memory_space<semaphore_mem>>) src(%arg9 : memref<128x128xf32, #tpu.memory_space<vmem>>) dst(%dma_wait3A_62 : memref<10240x128xf32, #tpu.memory_space<vmem_shared>>)
          tpu.yield
        }) : () -> ()
        %dma_wait3A_43 = arith.constant 0 : i32
        %dma_wait3A_44 = arith.constant 0 : i32
        %dma_wait3A_45 = tpu.memref_slice %arg5[%dma_wait3A_43, %dma_wait3A_44] : memref<10240x128xf32, #tpu.memory_space<hbm>> -> memref<128x128xf32, #tpu.memory_space<hbm>>
        %dma_wait3A_46 = arith.constant 0 : i32
        %dma_wait3A_47 = arith.constant 0 : i32
        %dma_wait3A_48 = tpu.memref_slice %arg5[%dma_wait3A_46, %dma_wait3A_47] : memref<10240x128xf32, #tpu.memory_space<hbm>> -> memref<128x128xf32, #tpu.memory_space<hbm>>
        tpu.wait_dma2 semaphore(%arg13 : memref<!tpu.dma_semaphore, #tpu.memory_space<semaphore_mem>>) src(%dma_wait3A_48 : memref<128x128xf32, #tpu.memory_space<hbm>>) dst(%arg10 : memref<128x128xf32, #tpu.memory_space<vmem>>)
        %lt3A = arith.constant 19 : i32
        %lt3A_49 = arith.cmpi slt, %scan3A_27, %lt3A : i32
        %convert_element_type3A = arith.extui %lt3A_49 : i1 to i32
        %cond3A = arith.constant 0 : i32
        %cond3A_50 = arith.cmpi ne, %convert_element_type3A, %cond3A : i32
        scf.if %cond3A_50 {
          %add3A_51 = arith.constant 2 : i32
          %add3A_52 = arith.addi %mul3A_29, %add3A_51 : i32
          %dma_start3A_53 = arith.constant 0 : i32
          %dma_start3A_54 = tpu.memref_slice %arg7[%add3A_52, %dma_start3A_53] : memref<40x128xi32, #tpu.memory_space<vmem>> -> memref<1x128xi32, #tpu.memory_space<vmem>>
          %dma_start3A_55 = tpu.memref_squeeze %dma_start3A_54 : memref<1x128xi32, #tpu.memory_space<vmem>> -> memref<128xi32, #tpu.memory_space<vmem>>
          %dma_start3A_56 = arith.constant 0 : i32
          %dma_start3A_57 = arith.constant 0 : i32
          %dma_start3A_58 = tpu.memref_slice %arg2[%dma_start3A_56, %dma_start3A_57] : memref<20480x128xf32, #tpu.memory_space<hbm>> -> memref<20480x128xf32, #tpu.memory_space<hbm>>
          tpu.enqueue_indirect_dma source(%dma_start3A_58 : memref<20480x128xf32, #tpu.memory_space<hbm>>) target(%arg9 : memref<128x128xf32, #tpu.memory_space<vmem>>) offsets(%dma_start3A_55 : memref<128xi32, #tpu.memory_space<vmem>>) semaphore(%arg12 : memref<!tpu.dma_semaphore, #tpu.memory_space<semaphore_mem>>)
        } else {
        }
        "tpu.region"() ({
          %run_scoped3A = tpu.sem_alloc : memref<!tpu.dma_semaphore, #tpu.memory_space<semaphore_mem>>
          %dma_start3A_51 = arith.constant 0 : i32
          %dma_start3A_52 = tpu.memref_slice %arg8[%add3A_31, %dma_start3A_51] : memref<40x128xi32, #tpu.memory_space<vmem>> -> memref<1x128xi32, #tpu.memory_space<vmem>>
          %dma_start3A_53 = tpu.memref_squeeze %dma_start3A_52 : memref<1x128xi32, #tpu.memory_space<vmem>> -> memref<128xi32, #tpu.memory_space<vmem>>
          %dma_start3A_54 = arith.constant 0 : i32
          %dma_start3A_55 = arith.constant 0 : i32
          %dma_start3A_56 = tpu.memref_slice %arg11[%dma_start3A_54, %dma_start3A_55] : memref<10240x128xf32, #tpu.memory_space<vmem_shared>> -> memref<10240x128xf32, #tpu.memory_space<vmem_shared>>
          tpu.enqueue_indirect_dma source(%arg10 : memref<128x128xf32, #tpu.memory_space<vmem>>) target(%dma_start3A_56 : memref<10240x128xf32, #tpu.memory_space<vmem_shared>>) offsets(%dma_start3A_53 : memref<128xi32, #tpu.memory_space<vmem>>) semaphore(%run_scoped3A : memref<!tpu.dma_semaphore, #tpu.memory_space<semaphore_mem>>) {add = true}
          %dma_wait3A_57 = arith.constant 0 : i32
          %dma_wait3A_58 = tpu.memref_slice %arg8[%add3A_31, %dma_wait3A_57] : memref<40x128xi32, #tpu.memory_space<vmem>> -> memref<1x128xi32, #tpu.memory_space<vmem>>
          %dma_wait3A_59 = tpu.memref_squeeze %dma_wait3A_58 : memref<1x128xi32, #tpu.memory_space<vmem>> -> memref<128xi32, #tpu.memory_space<vmem>>
          %dma_wait3A_60 = arith.constant 0 : i32
          %dma_wait3A_61 = arith.constant 0 : i32
          %dma_wait3A_62 = tpu.memref_slice %arg11[%dma_wait3A_60, %dma_wait3A_61] : memref<10240x128xf32, #tpu.memory_space<vmem_shared>> -> memref<10240x128xf32, #tpu.memory_space<vmem_shared>>
          tpu.wait_indirect_dma semaphore(%run_scoped3A : memref<!tpu.dma_semaphore, #tpu.memory_space<semaphore_mem>>) src(%arg10 : memref<128x128xf32, #tpu.memory_space<vmem>>) dst(%dma_wait3A_62 : memref<10240x128xf32, #tpu.memory_space<vmem_shared>>)
          tpu.yield
        }) : () -> ()
      }
      %scan3A_26 = arith.constant 20 : i32
    }
    %scan3A_7 = arith.constant 4 : i32
    %barrier3A_8 = arith.constant 0 : index
    tpu.barrier barrier_id(%barrier3A_8)
    "tpu.region"() ({
      %run_scoped3A = tpu.sem_alloc : memref<!tpu.dma_semaphore, #tpu.memory_space<semaphore_mem>>
      %dma_start3A = arith.constant 0 : i32
      %dma_start3A_9 = tpu.memref_slice %arg6[%arg0, %mul3A_0, %dma_start3A] : memref<2x10240x128xf32, #tpu.memory_space<hbm>> -> memref<1x640x128xf32, #tpu.memory_space<hbm>>
      %dma_start3A_10 = tpu.memref_squeeze %dma_start3A_9 : memref<1x640x128xf32, #tpu.memory_space<hbm>> -> memref<640x128xf32, #tpu.memory_space<hbm>>
      %dma_start3A_11 = arith.constant 0 : i32
      %dma_start3A_12 = tpu.memref_slice %arg11[%mul3A_0, %dma_start3A_11] : memref<10240x128xf32, #tpu.memory_space<vmem_shared>> -> memref<640x128xf32, #tpu.memory_space<vmem_shared>>
      tpu.enqueue_dma source(%dma_start3A_12 : memref<640x128xf32, #tpu.memory_space<vmem_shared>>) target(%dma_start3A_10 : memref<640x128xf32, #tpu.memory_space<hbm>>) target_semaphore(%run_scoped3A : memref<!tpu.dma_semaphore, #tpu.memory_space<semaphore_mem>>)
      %dma_wait3A = arith.constant 0 : i32
      %dma_wait3A_13 = tpu.memref_slice %arg6[%arg0, %mul3A_0, %dma_wait3A] : memref<2x10240x128xf32, #tpu.memory_space<hbm>> -> memref<1x640x128xf32, #tpu.memory_space<hbm>>
      %dma_wait3A_14 = tpu.memref_squeeze %dma_wait3A_13 : memref<1x640x128xf32, #tpu.memory_space<hbm>> -> memref<640x128xf32, #tpu.memory_space<hbm>>
      %dma_wait3A_15 = arith.constant 0 : i32
      %dma_wait3A_16 = tpu.memref_slice %arg11[%mul3A_0, %dma_wait3A_15] : memref<10240x128xf32, #tpu.memory_space<vmem_shared>> -> memref<640x128xf32, #tpu.memory_space<vmem_shared>>
      tpu.wait_dma2 semaphore(%run_scoped3A : memref<!tpu.dma_semaphore, #tpu.memory_space<semaphore_mem>>) src(%dma_wait3A_16 : memref<640x128xf32, #tpu.memory_space<vmem_shared>>) dst(%dma_wait3A_14 : memref<640x128xf32, #tpu.memory_space<hbm>>)
      tpu.yield
    }) : () -> ()
    return
  }
}

#map = affine_map<(d0, d1) -> (0, 0)>
#map1 = affine_map<(d0, d1) -> (0, 0, 0)>
module attributes {stable_mosaic.version = 14 : i64} {
  func.func @_sc_aggregate(%arg0: i32, %arg1: i32, %arg2: memref<20480x128xf32, #tpu.memory_space<hbm>>, %arg3: memref<2x2560x128xi32, #tpu.memory_space<hbm>>, %arg4: memref<2560x128xi32, #tpu.memory_space<hbm>>, %arg5: memref<10240x128xf32, #tpu.memory_space<hbm>>, %arg6: memref<2x10240x128xf32, #tpu.memory_space<hbm>>, %arg7: memref<40x128xi32, #tpu.memory_space<vmem>>, %arg8: memref<40x128xi32, #tpu.memory_space<vmem>>, %arg9: memref<128x128xf32, #tpu.memory_space<vmem>>, %arg10: memref<128x128xf32, #tpu.memory_space<vmem>>, %arg11: memref<10240x128xf32, #tpu.memory_space<vmem_shared>>, %arg12: memref<!tpu.dma_semaphore, #tpu.memory_space<semaphore_mem>>, %arg13: memref<!tpu.dma_semaphore, #tpu.memory_space<semaphore_mem>>) attributes {dimension_semantics = [#tpu.dimension_semantics<core_parallel>, #tpu.dimension_semantics<subcore_parallel>], iteration_bounds = array<i64: 2, 16>, scalar_prefetch = 0 : i64, scratch_operands = 7 : i64, tpu.core_type = #tpu.core_type<sc_vector_subcore>, window_params = [{transform_indices = #map}, {transform_indices = #map1}, {transform_indices = #map}, {transform_indices = #map}, {transform_indices = #map1}]} {
    %mul3A = arith.constant 640 : i32
    %mul3A_0 = arith.muli %arg1, %mul3A : i32
    "tpu.region"() ({
      %run_scoped3A = tpu.sem_alloc : memref<!tpu.dma_semaphore, #tpu.memory_space<semaphore_mem>>
      %dma_start3A = arith.constant 0 : i32
      %dma_start3A_9 = tpu.memref_slice %arg11[%mul3A_0, %dma_start3A] : memref<10240x128xf32, #tpu.memory_space<vmem_shared>> -> memref<640x128xf32, #tpu.memory_space<vmem_shared>>
      %dma_start3A_10 = arith.constant 0 : i32
      %dma_start3A_11 = tpu.memref_slice %arg5[%mul3A_0, %dma_start3A_10] : memref<10240x128xf32, #tpu.memory_space<hbm>> -> memref<640x128xf32, #tpu.memory_space<hbm>>
      tpu.enqueue_dma source(%dma_start3A_11 : memref<640x128xf32, #tpu.memory_space<hbm>>) target(%dma_start3A_9 : memref<640x128xf32, #tpu.memory_space<vmem_shared>>) target_semaphore(%run_scoped3A : memref<!tpu.dma_semaphore, #tpu.memory_space<semaphore_mem>>)
      %dma_wait3A = arith.constant 0 : i32
      %dma_wait3A_12 = tpu.memref_slice %arg11[%mul3A_0, %dma_wait3A] : memref<10240x128xf32, #tpu.memory_space<vmem_shared>> -> memref<640x128xf32, #tpu.memory_space<vmem_shared>>
      %dma_wait3A_13 = arith.constant 0 : i32
      %dma_wait3A_14 = tpu.memref_slice %arg5[%mul3A_0, %dma_wait3A_13] : memref<10240x128xf32, #tpu.memory_space<hbm>> -> memref<640x128xf32, #tpu.memory_space<hbm>>
      tpu.wait_dma2 semaphore(%run_scoped3A : memref<!tpu.dma_semaphore, #tpu.memory_space<semaphore_mem>>) src(%dma_wait3A_14 : memref<640x128xf32, #tpu.memory_space<hbm>>) dst(%dma_wait3A_12 : memref<640x128xf32, #tpu.memory_space<vmem_shared>>)
      tpu.yield
    }) : () -> ()
    %mul3A_1 = arith.constant 160 : i32
    %mul3A_2 = arith.muli %arg1, %mul3A_1 : i32
    %barrier3A = arith.constant 0 : index
    tpu.barrier barrier_id(%barrier3A)
    %scan3A = arith.constant 0 : i32
    %scan3A_3 = arith.constant 0 : i32
    %scan3A_4 = arith.constant 4 : i32
    %scan3A_5 = arith.addi %scan3A_3, %scan3A_4 : i32
    %scan3A_6 = arith.constant 1 : i32
    scf.for %scan3A_9 = %scan3A_3 to %scan3A_5 step %scan3A_6  : i32 {
      %mul3A_10 = arith.constant 40 : i32
      %mul3A_11 = arith.muli %scan3A_9, %mul3A_10 : i32
      %add3A = arith.addi %mul3A_2, %mul3A_11 : i32
      "tpu.region"() ({
        %run_scoped3A = tpu.sem_alloc : memref<!tpu.dma_semaphore, #tpu.memory_space<semaphore_mem>>
        %dma_start3A_27 = arith.constant 0 : i32
        %dma_start3A_28 = tpu.memref_slice %arg3[%arg0, %add3A, %dma_start3A_27] : memref<2x2560x128xi32, #tpu.memory_space<hbm>> -> memref<1x40x128xi32, #tpu.memory_space<hbm>>
        %dma_start3A_29 = tpu.memref_squeeze %dma_start3A_28 : memref<1x40x128xi32, #tpu.memory_space<hbm>> -> memref<40x128xi32, #tpu.memory_space<hbm>>
        %dma_start3A_30 = arith.constant 0 : i32
        %dma_start3A_31 = tpu.memref_slice %arg3[%arg0, %add3A, %dma_start3A_30] : memref<2x2560x128xi32, #tpu.memory_space<hbm>> -> memref<1x40x128xi32, #tpu.memory_space<hbm>>
        %dma_start3A_32 = tpu.memref_squeeze %dma_start3A_31 : memref<1x40x128xi32, #tpu.memory_space<hbm>> -> memref<40x128xi32, #tpu.memory_space<hbm>>
        tpu.enqueue_dma source(%dma_start3A_32 : memref<40x128xi32, #tpu.memory_space<hbm>>) target(%arg7 : memref<40x128xi32, #tpu.memory_space<vmem>>) target_semaphore(%run_scoped3A : memref<!tpu.dma_semaphore, #tpu.memory_space<semaphore_mem>>)
        %dma_wait3A = arith.constant 0 : i32
        %dma_wait3A_33 = tpu.memref_slice %arg3[%arg0, %add3A, %dma_wait3A] : memref<2x2560x128xi32, #tpu.memory_space<hbm>> -> memref<1x40x128xi32, #tpu.memory_space<hbm>>
        %dma_wait3A_34 = tpu.memref_squeeze %dma_wait3A_33 : memref<1x40x128xi32, #tpu.memory_space<hbm>> -> memref<40x128xi32, #tpu.memory_space<hbm>>
        %dma_wait3A_35 = arith.constant 0 : i32
        %dma_wait3A_36 = tpu.memref_slice %arg3[%arg0, %add3A, %dma_wait3A_35] : memref<2x2560x128xi32, #tpu.memory_space<hbm>> -> memref<1x40x128xi32, #tpu.memory_space<hbm>>
        %dma_wait3A_37 = tpu.memref_squeeze %dma_wait3A_36 : memref<1x40x128xi32, #tpu.memory_space<hbm>> -> memref<40x128xi32, #tpu.memory_space<hbm>>
        tpu.wait_dma2 semaphore(%run_scoped3A : memref<!tpu.dma_semaphore, #tpu.memory_space<semaphore_mem>>) src(%dma_wait3A_37 : memref<40x128xi32, #tpu.memory_space<hbm>>) dst(%arg7 : memref<40x128xi32, #tpu.memory_space<vmem>>)
        tpu.yield
      }) : () -> ()
      %mul3A_12 = arith.constant 40 : i32
      %mul3A_13 = arith.muli %scan3A_9, %mul3A_12 : i32
      %add3A_14 = arith.addi %mul3A_2, %mul3A_13 : i32
      "tpu.region"() ({
        %run_scoped3A = tpu.sem_alloc : memref<!tpu.dma_semaphore, #tpu.memory_space<semaphore_mem>>
        %dma_start3A_27 = arith.constant 0 : i32
        %dma_start3A_28 = tpu.memref_slice %arg4[%add3A_14, %dma_start3A_27] : memref<2560x128xi32, #tpu.memory_space<hbm>> -> memref<40x128xi32, #tpu.memory_space<hbm>>
        %dma_start3A_29 = arith.constant 0 : i32
        %dma_start3A_30 = tpu.memref_slice %arg4[%add3A_14, %dma_start3A_29] : memref<2560x128xi32, #tpu.memory_space<hbm>> -> memref<40x128xi32, #tpu.memory_space<hbm>>
        tpu.enqueue_dma source(%dma_start3A_30 : memref<40x128xi32, #tpu.memory_space<hbm>>) target(%arg8 : memref<40x128xi32, #tpu.memory_space<vmem>>) target_semaphore(%run_scoped3A : memref<!tpu.dma_semaphore, #tpu.memory_space<semaphore_mem>>)
        %dma_wait3A = arith.constant 0 : i32
        %dma_wait3A_31 = tpu.memref_slice %arg4[%add3A_14, %dma_wait3A] : memref<2560x128xi32, #tpu.memory_space<hbm>> -> memref<40x128xi32, #tpu.memory_space<hbm>>
        %dma_wait3A_32 = arith.constant 0 : i32
        %dma_wait3A_33 = tpu.memref_slice %arg4[%add3A_14, %dma_wait3A_32] : memref<2560x128xi32, #tpu.memory_space<hbm>> -> memref<40x128xi32, #tpu.memory_space<hbm>>
        tpu.wait_dma2 semaphore(%run_scoped3A : memref<!tpu.dma_semaphore, #tpu.memory_space<semaphore_mem>>) src(%dma_wait3A_33 : memref<40x128xi32, #tpu.memory_space<hbm>>) dst(%arg8 : memref<40x128xi32, #tpu.memory_space<vmem>>)
        tpu.yield
      }) : () -> ()
      %dma_start3A = arith.constant 0 : i32
      %dma_start3A_15 = arith.constant 0 : i32
      %dma_start3A_16 = tpu.memref_slice %arg7[%dma_start3A, %dma_start3A_15] : memref<40x128xi32, #tpu.memory_space<vmem>> -> memref<1x128xi32, #tpu.memory_space<vmem>>
      %dma_start3A_17 = tpu.memref_squeeze %dma_start3A_16 : memref<1x128xi32, #tpu.memory_space<vmem>> -> memref<128xi32, #tpu.memory_space<vmem>>
      %dma_start3A_18 = arith.constant 0 : i32
      %dma_start3A_19 = arith.constant 0 : i32
      %dma_start3A_20 = tpu.memref_slice %arg2[%dma_start3A_18, %dma_start3A_19] : memref<20480x128xf32, #tpu.memory_space<hbm>> -> memref<20480x128xf32, #tpu.memory_space<hbm>>
      tpu.enqueue_indirect_dma source(%dma_start3A_20 : memref<20480x128xf32, #tpu.memory_space<hbm>>) target(%arg9 : memref<128x128xf32, #tpu.memory_space<vmem>>) offsets(%dma_start3A_17 : memref<128xi32, #tpu.memory_space<vmem>>) semaphore(%arg12 : memref<!tpu.dma_semaphore, #tpu.memory_space<semaphore_mem>>)
      %scan3A_21 = arith.constant 0 : i32
      %scan3A_22 = arith.constant 0 : i32
      %scan3A_23 = arith.constant 20 : i32
      %scan3A_24 = arith.addi %scan3A_22, %scan3A_23 : i32
      %scan3A_25 = arith.constant 1 : i32
      scf.for %scan3A_27 = %scan3A_22 to %scan3A_24 step %scan3A_25  : i32 {
        %mul3A_28 = arith.constant 2 : i32
        %mul3A_29 = arith.muli %mul3A_28, %scan3A_27 : i32
        %add3A_30 = arith.constant 1 : i32
        %add3A_31 = arith.addi %mul3A_29, %add3A_30 : i32
        %dma_wait3A = arith.constant 0 : i32
        %dma_wait3A_32 = arith.constant 0 : i32
        %dma_wait3A_33 = tpu.memref_slice %arg5[%dma_wait3A, %dma_wait3A_32] : memref<10240x128xf32, #tpu.memory_space<hbm>> -> memref<128x128xf32, #tpu.memory_space<hbm>>
        %dma_wait3A_34 = arith.constant 0 : i32
        %dma_wait3A_35 = arith.constant 0 : i32
        %dma_wait3A_36 = tpu.memref_slice %arg5[%dma_wait3A_34, %dma_wait3A_35] : memref<10240x128xf32, #tpu.memory_space<hbm>> -> memref<128x128xf32, #tpu.memory_space<hbm>>
        tpu.wait_dma2 semaphore(%arg12 : memref<!tpu.dma_semaphore, #tpu.memory_space<semaphore_mem>>) src(%dma_wait3A_36 : memref<128x128xf32, #tpu.memory_space<hbm>>) dst(%arg9 : memref<128x128xf32, #tpu.memory_space<vmem>>)
        %dma_start3A_37 = arith.constant 0 : i32
        %dma_start3A_38 = tpu.memref_slice %arg7[%add3A_31, %dma_start3A_37] : memref<40x128xi32, #tpu.memory_space<vmem>> -> memref<1x128xi32, #tpu.memory_space<vmem>>
        %dma_start3A_39 = tpu.memref_squeeze %dma_start3A_38 : memref<1x128xi32, #tpu.memory_space<vmem>> -> memref<128xi32, #tpu.memory_space<vmem>>
        %dma_start3A_40 = arith.constant 0 : i32
        %dma_start3A_41 = arith.constant 0 : i32
        %dma_start3A_42 = tpu.memref_slice %arg2[%dma_start3A_40, %dma_start3A_41] : memref<20480x128xf32, #tpu.memory_space<hbm>> -> memref<20480x128xf32, #tpu.memory_space<hbm>>
        tpu.enqueue_indirect_dma source(%dma_start3A_42 : memref<20480x128xf32, #tpu.memory_space<hbm>>) target(%arg10 : memref<128x128xf32, #tpu.memory_space<vmem>>) offsets(%dma_start3A_39 : memref<128xi32, #tpu.memory_space<vmem>>) semaphore(%arg13 : memref<!tpu.dma_semaphore, #tpu.memory_space<semaphore_mem>>)
        "tpu.region"() ({
          %run_scoped3A = tpu.sem_alloc : memref<!tpu.dma_semaphore, #tpu.memory_space<semaphore_mem>>
          %dma_start3A_51 = arith.constant 0 : i32
          %dma_start3A_52 = tpu.memref_slice %arg8[%mul3A_29, %dma_start3A_51] : memref<40x128xi32, #tpu.memory_space<vmem>> -> memref<1x128xi32, #tpu.memory_space<vmem>>
          %dma_start3A_53 = tpu.memref_squeeze %dma_start3A_52 : memref<1x128xi32, #tpu.memory_space<vmem>> -> memref<128xi32, #tpu.memory_space<vmem>>
          %dma_start3A_54 = arith.constant 0 : i32
          %dma_start3A_55 = arith.constant 0 : i32
          %dma_start3A_56 = tpu.memref_slice %arg11[%dma_start3A_54, %dma_start3A_55] : memref<10240x128xf32, #tpu.memory_space<vmem_shared>> -> memref<10240x128xf32, #tpu.memory_space<vmem_shared>>
          tpu.enqueue_indirect_dma source(%arg9 : memref<128x128xf32, #tpu.memory_space<vmem>>) target(%dma_start3A_56 : memref<10240x128xf32, #tpu.memory_space<vmem_shared>>) offsets(%dma_start3A_53 : memref<128xi32, #tpu.memory_space<vmem>>) semaphore(%run_scoped3A : memref<!tpu.dma_semaphore, #tpu.memory_space<semaphore_mem>>) {add = true}
          %dma_wait3A_57 = arith.constant 0 : i32
          %dma_wait3A_58 = tpu.memref_slice %arg8[%mul3A_29, %dma_wait3A_57] : memref<40x128xi32, #tpu.memory_space<vmem>> -> memref<1x128xi32, #tpu.memory_space<vmem>>
          %dma_wait3A_59 = tpu.memref_squeeze %dma_wait3A_58 : memref<1x128xi32, #tpu.memory_space<vmem>> -> memref<128xi32, #tpu.memory_space<vmem>>
          %dma_wait3A_60 = arith.constant 0 : i32
          %dma_wait3A_61 = arith.constant 0 : i32
          %dma_wait3A_62 = tpu.memref_slice %arg11[%dma_wait3A_60, %dma_wait3A_61] : memref<10240x128xf32, #tpu.memory_space<vmem_shared>> -> memref<10240x128xf32, #tpu.memory_space<vmem_shared>>
          tpu.wait_indirect_dma semaphore(%run_scoped3A : memref<!tpu.dma_semaphore, #tpu.memory_space<semaphore_mem>>) src(%arg9 : memref<128x128xf32, #tpu.memory_space<vmem>>) dst(%dma_wait3A_62 : memref<10240x128xf32, #tpu.memory_space<vmem_shared>>)
          tpu.yield
        }) : () -> ()
        %dma_wait3A_43 = arith.constant 0 : i32
        %dma_wait3A_44 = arith.constant 0 : i32
        %dma_wait3A_45 = tpu.memref_slice %arg5[%dma_wait3A_43, %dma_wait3A_44] : memref<10240x128xf32, #tpu.memory_space<hbm>> -> memref<128x128xf32, #tpu.memory_space<hbm>>
        %dma_wait3A_46 = arith.constant 0 : i32
        %dma_wait3A_47 = arith.constant 0 : i32
        %dma_wait3A_48 = tpu.memref_slice %arg5[%dma_wait3A_46, %dma_wait3A_47] : memref<10240x128xf32, #tpu.memory_space<hbm>> -> memref<128x128xf32, #tpu.memory_space<hbm>>
        tpu.wait_dma2 semaphore(%arg13 : memref<!tpu.dma_semaphore, #tpu.memory_space<semaphore_mem>>) src(%dma_wait3A_48 : memref<128x128xf32, #tpu.memory_space<hbm>>) dst(%arg10 : memref<128x128xf32, #tpu.memory_space<vmem>>)
        %lt3A = arith.constant 19 : i32
        %lt3A_49 = arith.cmpi slt, %scan3A_27, %lt3A : i32
        %convert_element_type3A = arith.extui %lt3A_49 : i1 to i32
        %cond3A = arith.constant 0 : i32
        %cond3A_50 = arith.cmpi ne, %convert_element_type3A, %cond3A : i32
        scf.if %cond3A_50 {
          %add3A_51 = arith.constant 2 : i32
          %add3A_52 = arith.addi %mul3A_29, %add3A_51 : i32
          %dma_start3A_53 = arith.constant 0 : i32
          %dma_start3A_54 = tpu.memref_slice %arg7[%add3A_52, %dma_start3A_53] : memref<40x128xi32, #tpu.memory_space<vmem>> -> memref<1x128xi32, #tpu.memory_space<vmem>>
          %dma_start3A_55 = tpu.memref_squeeze %dma_start3A_54 : memref<1x128xi32, #tpu.memory_space<vmem>> -> memref<128xi32, #tpu.memory_space<vmem>>
          %dma_start3A_56 = arith.constant 0 : i32
          %dma_start3A_57 = arith.constant 0 : i32
          %dma_start3A_58 = tpu.memref_slice %arg2[%dma_start3A_56, %dma_start3A_57] : memref<20480x128xf32, #tpu.memory_space<hbm>> -> memref<20480x128xf32, #tpu.memory_space<hbm>>
          tpu.enqueue_indirect_dma source(%dma_start3A_58 : memref<20480x128xf32, #tpu.memory_space<hbm>>) target(%arg9 : memref<128x128xf32, #tpu.memory_space<vmem>>) offsets(%dma_start3A_55 : memref<128xi32, #tpu.memory_space<vmem>>) semaphore(%arg12 : memref<!tpu.dma_semaphore, #tpu.memory_space<semaphore_mem>>)
        } else {
        }
        "tpu.region"() ({
          %run_scoped3A = tpu.sem_alloc : memref<!tpu.dma_semaphore, #tpu.memory_space<semaphore_mem>>
          %dma_start3A_51 = arith.constant 0 : i32
          %dma_start3A_52 = tpu.memref_slice %arg8[%add3A_31, %dma_start3A_51] : memref<40x128xi32, #tpu.memory_space<vmem>> -> memref<1x128xi32, #tpu.memory_space<vmem>>
          %dma_start3A_53 = tpu.memref_squeeze %dma_start3A_52 : memref<1x128xi32, #tpu.memory_space<vmem>> -> memref<128xi32, #tpu.memory_space<vmem>>
          %dma_start3A_54 = arith.constant 0 : i32
          %dma_start3A_55 = arith.constant 0 : i32
          %dma_start3A_56 = tpu.memref_slice %arg11[%dma_start3A_54, %dma_start3A_55] : memref<10240x128xf32, #tpu.memory_space<vmem_shared>> -> memref<10240x128xf32, #tpu.memory_space<vmem_shared>>
          tpu.enqueue_indirect_dma source(%arg10 : memref<128x128xf32, #tpu.memory_space<vmem>>) target(%dma_start3A_56 : memref<10240x128xf32, #tpu.memory_space<vmem_shared>>) offsets(%dma_start3A_53 : memref<128xi32, #tpu.memory_space<vmem>>) semaphore(%run_scoped3A : memref<!tpu.dma_semaphore, #tpu.memory_space<semaphore_mem>>) {add = true}
          %dma_wait3A_57 = arith.constant 0 : i32
          %dma_wait3A_58 = tpu.memref_slice %arg8[%add3A_31, %dma_wait3A_57] : memref<40x128xi32, #tpu.memory_space<vmem>> -> memref<1x128xi32, #tpu.memory_space<vmem>>
          %dma_wait3A_59 = tpu.memref_squeeze %dma_wait3A_58 : memref<1x128xi32, #tpu.memory_space<vmem>> -> memref<128xi32, #tpu.memory_space<vmem>>
          %dma_wait3A_60 = arith.constant 0 : i32
          %dma_wait3A_61 = arith.constant 0 : i32
          %dma_wait3A_62 = tpu.memref_slice %arg11[%dma_wait3A_60, %dma_wait3A_61] : memref<10240x128xf32, #tpu.memory_space<vmem_shared>> -> memref<10240x128xf32, #tpu.memory_space<vmem_shared>>
          tpu.wait_indirect_dma semaphore(%run_scoped3A : memref<!tpu.dma_semaphore, #tpu.memory_space<semaphore_mem>>) src(%arg10 : memref<128x128xf32, #tpu.memory_space<vmem>>) dst(%dma_wait3A_62 : memref<10240x128xf32, #tpu.memory_space<vmem_shared>>)
          tpu.yield
        }) : () -> ()
      }
      %scan3A_26 = arith.constant 20 : i32
    }
    %scan3A_7 = arith.constant 4 : i32
    %barrier3A_8 = arith.constant 0 : index
    tpu.barrier barrier_id(%barrier3A_8)
    "tpu.region"() ({
      %run_scoped3A = tpu.sem_alloc : memref<!tpu.dma_semaphore, #tpu.memory_space<semaphore_mem>>
      %dma_start3A = arith.constant 0 : i32
      %dma_start3A_9 = tpu.memref_slice %arg6[%arg0, %mul3A_0, %dma_start3A] : memref<2x10240x128xf32, #tpu.memory_space<hbm>> -> memref<1x640x128xf32, #tpu.memory_space<hbm>>
      %dma_start3A_10 = tpu.memref_squeeze %dma_start3A_9 : memref<1x640x128xf32, #tpu.memory_space<hbm>> -> memref<640x128xf32, #tpu.memory_space<hbm>>
      %dma_start3A_11 = arith.constant 0 : i32
      %dma_start3A_12 = tpu.memref_slice %arg11[%mul3A_0, %dma_start3A_11] : memref<10240x128xf32, #tpu.memory_space<vmem_shared>> -> memref<640x128xf32, #tpu.memory_space<vmem_shared>>
      tpu.enqueue_dma source(%dma_start3A_12 : memref<640x128xf32, #tpu.memory_space<vmem_shared>>) target(%dma_start3A_10 : memref<640x128xf32, #tpu.memory_space<hbm>>) target_semaphore(%run_scoped3A : memref<!tpu.dma_semaphore, #tpu.memory_space<semaphore_mem>>)
      %dma_wait3A = arith.constant 0 : i32
      %dma_wait3A_13 = tpu.memref_slice %arg6[%arg0, %mul3A_0, %dma_wait3A] : memref<2x10240x128xf32, #tpu.memory_space<hbm>> -> memref<1x640x128xf32, #tpu.memory_space<hbm>>
      %dma_wait3A_14 = tpu.memref_squeeze %dma_wait3A_13 : memref<1x640x128xf32, #tpu.memory_space<hbm>> -> memref<640x128xf32, #tpu.memory_space<hbm>>
      %dma_wait3A_15 = arith.constant 0 : i32
      %dma_wait3A_16 = tpu.memref_slice %arg11[%mul3A_0, %dma_wait3A_15] : memref<10240x128xf32, #tpu.memory_space<vmem_shared>> -> memref<640x128xf32, #tpu.memory_space<vmem_shared>>
      tpu.wait_dma2 semaphore(%run_scoped3A : memref<!tpu.dma_semaphore, #tpu.memory_space<semaphore_mem>>) src(%dma_wait3A_16 : memref<640x128xf32, #tpu.memory_space<vmem_shared>>) dst(%dma_wait3A_14 : memref<640x128xf32, #tpu.memory_space<hbm>>)
      tpu.yield
    }) : () -> ()
    return
  }
}

module attributes {stable_mosaic.version = 14 : i64} {
  func.func @_tc1_body(%arg0: i32, %arg1: memref<5120x128xf32, #tpu.memory_space<vmem>>, %arg2: memref<128x256xf32, #tpu.memory_space<vmem>>, %arg3: memref<5120x1xf32, #tpu.memory_space<vmem>>, %arg4: memref<2x5120x128xf32, #tpu.memory_space<vmem>>) attributes {dimension_semantics = [#tpu.dimension_semantics<arbitrary>], iteration_bounds = array<i64: 2>, scalar_prefetch = 0 : i64, scratch_operands = 0 : i64, tpu.core_type = #tpu.core_type<tc>, window_params = [{transform_indices = @transform_0, window_bounds = array<i64: 5120, 128>}, {pipeline_mode = #tpu.pipeline_mode<synchronous>, transform_indices = @transform_1, window_bounds = array<i64: 128, 256>}, {transform_indices = @transform_2, window_bounds = array<i64: 5120, 1>}, {transform_indices = @transform_3, window_bounds = array<i64: 2, 5120, 128>}]} {
    %get3A = arith.constant 0 : index
    %get3A_0 = arith.constant 0 : index
    %get3A_1 = vector.load %arg1[%get3A, %get3A_0] : memref<5120x128xf32, #tpu.memory_space<vmem>>, vector<5120x128xf32>
    %get3A_2 = arith.constant 0 : index
    %get3A_3 = arith.constant 0 : index
    %get3A_4 = vector.load %arg2[%get3A_2, %get3A_3] : memref<128x256xf32, #tpu.memory_space<vmem>>, vector<128x256xf32>
    %dot_general3A = arith.constant dense<0.000000e+00> : vector<5120x256xf32>
    %dot_general3A_5 = tpu.matmul %get3A_1, %get3A_4, %dot_general3A {dimension_numbers = #tpu.dot_dimension_numbers<[1], [0], [0], [1], [0, 0, 1, 1], [], []>, transpose_lhs_hint = false} : vector<5120x128xf32>, vector<128x256xf32>, vector<5120x256xf32> -> vector<5120x256xf32>
    %get3A_6 = arith.constant 0 : index
    %get3A_7 = arith.constant 0 : index
    %get3A_8 = vector.load %arg3[%get3A_6, %get3A_7] : memref<5120x1xf32, #tpu.memory_space<vmem>>, vector<5120x1xf32>
    %mul3A = vector.broadcast %get3A_8 : vector<5120x1xf32> to vector<5120x256xf32>
    %mul3A_9 = arith.mulf %mul3A, %dot_general3A_5 : vector<5120x256xf32>
    %slice3A = vector.extract_strided_slice %mul3A_9 {offsets = [0, 0], sizes = [5120, 128], strides = [1, 1]} : vector<5120x256xf32> to vector<5120x128xf32>
    %swap3A = arith.constant 0 : index
    %swap3A_10 = arith.constant 0 : index
    %swap3A_11 = arith.constant 0 : index
    %swap3A_12 = vector.load %arg4[%swap3A, %swap3A_10, %swap3A_11] : memref<2x5120x128xf32, #tpu.memory_space<vmem>>, vector<1x5120x128xf32>
    %swap3A_13 = vector.shape_cast %swap3A_12 : vector<1x5120x128xf32> to vector<5120x128xf32>
    %swap3A_14 = vector.shape_cast %slice3A : vector<5120x128xf32> to vector<1x5120x128xf32>
    tpu.vector_store %arg4[%swap3A, %swap3A_10, %swap3A_11], %swap3A_14 {strides = array<i32>} : memref<2x5120x128xf32, #tpu.memory_space<vmem>>, vector<1x5120x128xf32>,
    %slice3A_15 = vector.extract_strided_slice %mul3A_9 {offsets = [0, 128], sizes = [5120, 128], strides = [1, 1]} : vector<5120x256xf32> to vector<5120x128xf32>
    %swap3A_16 = arith.constant 1 : index
    %swap3A_17 = arith.constant 0 : index
    %swap3A_18 = arith.constant 0 : index
    %swap3A_19 = vector.load %arg4[%swap3A_16, %swap3A_17, %swap3A_18] : memref<2x5120x128xf32, #tpu.memory_space<vmem>>, vector<1x5120x128xf32>
    %swap3A_20 = vector.shape_cast %swap3A_19 : vector<1x5120x128xf32> to vector<5120x128xf32>
    %swap3A_21 = vector.shape_cast %slice3A_15 : vector<5120x128xf32> to vector<1x5120x128xf32>
    tpu.vector_store %arg4[%swap3A_16, %swap3A_17, %swap3A_18], %swap3A_21 {strides = array<i32>} : memref<2x5120x128xf32, #tpu.memory_space<vmem>>, vector<1x5120x128xf32>,
    return
  }
  func.func @transform_0(%arg0: i32) -> (i32, i32) {
    %c0_i32 = arith.constant 0 : i32
    %c0_i32_0 = arith.constant 0 : i32
    return %arg0, %c0_i32 : i32, i32
  }
  func.func @transform_1(%arg0: i32) -> (i32, i32) {
    %c0_i32 = arith.constant 0 : i32
    %c0_i32_0 = arith.constant 0 : i32
    %c0_i32_1 = arith.constant 0 : i32
    return %c0_i32, %c0_i32_0 : i32, i32
  }
  func.func @transform_2(%arg0: i32) -> (i32, i32) {
    %c0_i32 = arith.constant 0 : i32
    %c0_i32_0 = arith.constant 0 : i32
    return %arg0, %c0_i32 : i32, i32
  }
  func.func @transform_3(%arg0: i32) -> (i32, i32, i32) {
    %c0_i32 = arith.constant 0 : i32
    %c0_i32_0 = arith.constant 0 : i32
    %c0_i32_1 = arith.constant 0 : i32
    return %c0_i32, %arg0, %c0_i32_0 : i32, i32, i32
  }
}

module attributes {stable_mosaic.version = 14 : i64} {
  func.func @_tc_mid_body(%arg0: i32, %arg1: memref<2x5120x128xf32, #tpu.memory_space<vmem>>, %arg2: memref<2x5120x128xf32, #tpu.memory_space<vmem>>, %arg3: memref<5120x1xf32, #tpu.memory_space<vmem>>, %arg4: memref<8x256xf32, #tpu.memory_space<vmem>>, %arg5: memref<256x256xf32, #tpu.memory_space<vmem>>, %arg6: memref<2x5120x128xf32, #tpu.memory_space<vmem>>) attributes {dimension_semantics = [#tpu.dimension_semantics<arbitrary>], iteration_bounds = array<i64: 2>, scalar_prefetch = 0 : i64, scratch_operands = 0 : i64, tpu.core_type = #tpu.core_type<tc>, window_params = [{transform_indices = @transform_0, window_bounds = array<i64: 2, 5120, 128>}, {transform_indices = @transform_1, window_bounds = array<i64: 2, 5120, 128>}, {transform_indices = @transform_2, window_bounds = array<i64: 5120, 1>}, {pipeline_mode = #tpu.pipeline_mode<synchronous>, transform_indices = @transform_3, window_bounds = array<i64: 8, 256>}, {pipeline_mode = #tpu.pipeline_mode<synchronous>, transform_indices = @transform_4, window_bounds = array<i64: 256, 256>}, {transform_indices = @transform_5, window_bounds = array<i64: 2, 5120, 128>}]} {
    %get3A = arith.constant 0 : index
    %get3A_0 = arith.constant 0 : index
    %get3A_1 = arith.constant 0 : index
    %get3A_2 = vector.load %arg1[%get3A, %get3A_0, %get3A_1] : memref<2x5120x128xf32, #tpu.memory_space<vmem>>, vector<1x5120x128xf32>
    %get3A_3 = vector.shape_cast %get3A_2 : vector<1x5120x128xf32> to vector<5120x128xf32>
    %get3A_4 = arith.constant 0 : index
    %get3A_5 = arith.constant 0 : index
    %get3A_6 = arith.constant 0 : index
    %get3A_7 = vector.load %arg2[%get3A_4, %get3A_5, %get3A_6] : memref<2x5120x128xf32, #tpu.memory_space<vmem>>, vector<1x5120x128xf32>
    %get3A_8 = vector.shape_cast %get3A_7 : vector<1x5120x128xf32> to vector<5120x128xf32>
    %add3A = arith.addf %get3A_3, %get3A_8 : vector<5120x128xf32>
    %get3A_9 = arith.constant 1 : index
    %get3A_10 = arith.constant 0 : index
    %get3A_11 = arith.constant 0 : index
    %get3A_12 = vector.load %arg1[%get3A_9, %get3A_10, %get3A_11] : memref<2x5120x128xf32, #tpu.memory_space<vmem>>, vector<1x5120x128xf32>
    %get3A_13 = vector.shape_cast %get3A_12 : vector<1x5120x128xf32> to vector<5120x128xf32>
    %get3A_14 = arith.constant 1 : index
    %get3A_15 = arith.constant 0 : index
    %get3A_16 = arith.constant 0 : index
    %get3A_17 = vector.load %arg2[%get3A_14, %get3A_15, %get3A_16] : memref<2x5120x128xf32, #tpu.memory_space<vmem>>, vector<1x5120x128xf32>
    %get3A_18 = vector.shape_cast %get3A_17 : vector<1x5120x128xf32> to vector<5120x128xf32>
    %add3A_19 = arith.addf %get3A_13, %get3A_18 : vector<5120x128xf32>
    %concatenate3A = tpu.concatenate %add3A, %add3A_19 in 1 : vector<5120x128xf32>, vector<5120x128xf32> -> vector<5120x256xf32>
    %get3A_20 = arith.constant 0 : index
    %get3A_21 = arith.constant 0 : index
    %get3A_22 = vector.load %arg3[%get3A_20, %get3A_21] : memref<5120x1xf32, #tpu.memory_space<vmem>>, vector<5120x1xf32>
    %mul3A = vector.broadcast %get3A_22 : vector<5120x1xf32> to vector<5120x256xf32>
    %mul3A_23 = arith.mulf %mul3A, %concatenate3A : vector<5120x256xf32>
    %get3A_24 = arith.constant 0 : index
    %get3A_25 = arith.constant 0 : index
    %get3A_26 = vector.load %arg4[%get3A_24, %get3A_25] : memref<8x256xf32, #tpu.memory_space<vmem>>, vector<1x256xf32>
    %add3A_27 = vector.broadcast %get3A_26 : vector<1x256xf32> to vector<5120x256xf32>
    %add3A_28 = arith.addf %mul3A_23, %add3A_27 : vector<5120x256xf32>
    %max3A = arith.constant 0.000000e+00 : f32
    %max3A_29 = vector.broadcast %max3A : f32 to vector<5120x256xf32>
    %max3A_30 = arith.maximumf %add3A_28, %max3A_29 : vector<5120x256xf32>
    %get3A_31 = arith.constant 0 : index
    %get3A_32 = arith.constant 0 : index
    %get3A_33 = vector.load %arg5[%get3A_31, %get3A_32] : memref<256x256xf32, #tpu.memory_space<vmem>>, vector<256x256xf32>
    %dot_general3A = arith.constant dense<0.000000e+00> : vector<5120x256xf32>
    %dot_general3A_34 = tpu.matmul %max3A_30, %get3A_33, %dot_general3A {dimension_numbers = #tpu.dot_dimension_numbers<[1], [0], [0], [1], [0, 0, 1, 1], [], []>, transpose_lhs_hint = false} : vector<5120x256xf32>, vector<256x256xf32>, vector<5120x256xf32> -> vector<5120x256xf32>
    %mul3A_35 = vector.broadcast %get3A_22 : vector<5120x1xf32> to vector<5120x256xf32>
    %mul3A_36 = arith.mulf %mul3A_35, %dot_general3A_34 : vector<5120x256xf32>
    %slice3A = vector.extract_strided_slice %mul3A_36 {offsets = [0, 0], sizes = [5120, 128], strides = [1, 1]} : vector<5120x256xf32> to vector<5120x128xf32>
    %swap3A = arith.constant 0 : index
    %swap3A_37 = arith.constant 0 : index
    %swap3A_38 = arith.constant 0 : index
    %swap3A_39 = vector.load %arg6[%swap3A, %swap3A_37, %swap3A_38] : memref<2x5120x128xf32, #tpu.memory_space<vmem>>, vector<1x5120x128xf32>
    %swap3A_40 = vector.shape_cast %swap3A_39 : vector<1x5120x128xf32> to vector<5120x128xf32>
    %swap3A_41 = vector.shape_cast %slice3A : vector<5120x128xf32> to vector<1x5120x128xf32>
    tpu.vector_store %arg6[%swap3A, %swap3A_37, %swap3A_38], %swap3A_41 {strides = array<i32>} : memref<2x5120x128xf32, #tpu.memory_space<vmem>>, vector<1x5120x128xf32>,
    %slice3A_42 = vector.extract_strided_slice %mul3A_36 {offsets = [0, 128], sizes = [5120, 128], strides = [1, 1]} : vector<5120x256xf32> to vector<5120x128xf32>
    %swap3A_43 = arith.constant 1 : index
    %swap3A_44 = arith.constant 0 : index
    %swap3A_45 = arith.constant 0 : index
    %swap3A_46 = vector.load %arg6[%swap3A_43, %swap3A_44, %swap3A_45] : memref<2x5120x128xf32, #tpu.memory_space<vmem>>, vector<1x5120x128xf32>
    %swap3A_47 = vector.shape_cast %swap3A_46 : vector<1x5120x128xf32> to vector<5120x128xf32>
    %swap3A_48 = vector.shape_cast %slice3A_42 : vector<5120x128xf32> to vector<1x5120x128xf32>
    tpu.vector_store %arg6[%swap3A_43, %swap3A_44, %swap3A_45], %swap3A_48 {strides = array<i32>} : memref<2x5120x128xf32, #tpu.memory_space<vmem>>, vector<1x5120x128xf32>,
    return
  }
  func.func @transform_0(%arg0: i32) -> (i32, i32, i32) {
    %c0_i32 = arith.constant 0 : i32
    %c0_i32_0 = arith.constant 0 : i32
    %c0_i32_1 = arith.constant 0 : i32
    return %c0_i32, %arg0, %c0_i32_0 : i32, i32, i32
  }
  func.func @transform_1(%arg0: i32) -> (i32, i32, i32) {
    %c0_i32 = arith.constant 0 : i32
    %c0_i32_0 = arith.constant 0 : i32
    %c0_i32_1 = arith.constant 0 : i32
    return %c0_i32, %arg0, %c0_i32_0 : i32, i32, i32
  }
  func.func @transform_2(%arg0: i32) -> (i32, i32) {
    %c0_i32 = arith.constant 0 : i32
    %c0_i32_0 = arith.constant 0 : i32
    return %arg0, %c0_i32 : i32, i32
  }
  func.func @transform_3(%arg0: i32) -> (i32, i32) {
    %c0_i32 = arith.constant 0 : i32
    %c0_i32_0 = arith.constant 0 : i32
    %c0_i32_1 = arith.constant 0 : i32
    return %c0_i32, %c0_i32_0 : i32, i32
  }
  func.func @transform_4(%arg0: i32) -> (i32, i32) {
    %c0_i32 = arith.constant 0 : i32
    %c0_i32_0 = arith.constant 0 : i32
    %c0_i32_1 = arith.constant 0 : i32
    return %c0_i32, %c0_i32_0 : i32, i32
  }
  func.func @transform_5(%arg0: i32) -> (i32, i32, i32) {
    %c0_i32 = arith.constant 0 : i32
    %c0_i32_0 = arith.constant 0 : i32
    %c0_i32_1 = arith.constant 0 : i32
    return %c0_i32, %arg0, %c0_i32_0 : i32, i32, i32
  }
}

module attributes {stable_mosaic.version = 14 : i64} {
  func.func @_tc_final_body(%arg0: i32, %arg1: memref<2x5120x128xf32, #tpu.memory_space<vmem>>, %arg2: memref<2x5120x128xf32, #tpu.memory_space<vmem>>, %arg3: memref<5120x1xf32, #tpu.memory_space<vmem>>, %arg4: memref<8x256xf32, #tpu.memory_space<vmem>>, %arg5: memref<256x128xf32, #tpu.memory_space<vmem>>, %arg6: memref<8x128xf32, #tpu.memory_space<vmem>>, %arg7: memref<5120x128xf32, #tpu.memory_space<vmem>>) attributes {dimension_semantics = [#tpu.dimension_semantics<arbitrary>], iteration_bounds = array<i64: 2>, scalar_prefetch = 0 : i64, scratch_operands = 0 : i64, tpu.core_type = #tpu.core_type<tc>, window_params = [{transform_indices = @transform_0, window_bounds = array<i64: 2, 5120, 128>}, {transform_indices = @transform_1, window_bounds = array<i64: 2, 5120, 128>}, {transform_indices = @transform_2, window_bounds = array<i64: 5120, 1>}, {pipeline_mode = #tpu.pipeline_mode<synchronous>, transform_indices = @transform_3, window_bounds = array<i64: 8, 256>}, {pipeline_mode = #tpu.pipeline_mode<synchronous>, transform_indices = @transform_4, window_bounds = array<i64: 256, 128>}, {pipeline_mode = #tpu.pipeline_mode<synchronous>, transform_indices = @transform_5, window_bounds = array<i64: 8, 128>}, {transform_indices = @transform_6, window_bounds = array<i64: 5120, 128>}]} {
    %get3A = arith.constant 0 : index
    %get3A_0 = arith.constant 0 : index
    %get3A_1 = arith.constant 0 : index
    %get3A_2 = vector.load %arg1[%get3A, %get3A_0, %get3A_1] : memref<2x5120x128xf32, #tpu.memory_space<vmem>>, vector<1x5120x128xf32>
    %get3A_3 = vector.shape_cast %get3A_2 : vector<1x5120x128xf32> to vector<5120x128xf32>
    %get3A_4 = arith.constant 0 : index
    %get3A_5 = arith.constant 0 : index
    %get3A_6 = arith.constant 0 : index
    %get3A_7 = vector.load %arg2[%get3A_4, %get3A_5, %get3A_6] : memref<2x5120x128xf32, #tpu.memory_space<vmem>>, vector<1x5120x128xf32>
    %get3A_8 = vector.shape_cast %get3A_7 : vector<1x5120x128xf32> to vector<5120x128xf32>
    %add3A = arith.addf %get3A_3, %get3A_8 : vector<5120x128xf32>
    %get3A_9 = arith.constant 1 : index
    %get3A_10 = arith.constant 0 : index
    %get3A_11 = arith.constant 0 : index
    %get3A_12 = vector.load %arg1[%get3A_9, %get3A_10, %get3A_11] : memref<2x5120x128xf32, #tpu.memory_space<vmem>>, vector<1x5120x128xf32>
    %get3A_13 = vector.shape_cast %get3A_12 : vector<1x5120x128xf32> to vector<5120x128xf32>
    %get3A_14 = arith.constant 1 : index
    %get3A_15 = arith.constant 0 : index
    %get3A_16 = arith.constant 0 : index
    %get3A_17 = vector.load %arg2[%get3A_14, %get3A_15, %get3A_16] : memref<2x5120x128xf32, #tpu.memory_space<vmem>>, vector<1x5120x128xf32>
    %get3A_18 = vector.shape_cast %get3A_17 : vector<1x5120x128xf32> to vector<5120x128xf32>
    %add3A_19 = arith.addf %get3A_13, %get3A_18 : vector<5120x128xf32>
    %concatenate3A = tpu.concatenate %add3A, %add3A_19 in 1 : vector<5120x128xf32>, vector<5120x128xf32> -> vector<5120x256xf32>
    %get3A_20 = arith.constant 0 : index
    %get3A_21 = arith.constant 0 : index
    %get3A_22 = vector.load %arg3[%get3A_20, %get3A_21] : memref<5120x1xf32, #tpu.memory_space<vmem>>, vector<5120x1xf32>
    %mul3A = vector.broadcast %get3A_22 : vector<5120x1xf32> to vector<5120x256xf32>
    %mul3A_23 = arith.mulf %mul3A, %concatenate3A : vector<5120x256xf32>
    %get3A_24 = arith.constant 0 : index
    %get3A_25 = arith.constant 0 : index
    %get3A_26 = vector.load %arg4[%get3A_24, %get3A_25] : memref<8x256xf32, #tpu.memory_space<vmem>>, vector<1x256xf32>
    %add3A_27 = vector.broadcast %get3A_26 : vector<1x256xf32> to vector<5120x256xf32>
    %add3A_28 = arith.addf %mul3A_23, %add3A_27 : vector<5120x256xf32>
    %max3A = arith.constant 0.000000e+00 : f32
    %max3A_29 = vector.broadcast %max3A : f32 to vector<5120x256xf32>
    %max3A_30 = arith.maximumf %add3A_28, %max3A_29 : vector<5120x256xf32>
    %get3A_31 = arith.constant 0 : index
    %get3A_32 = arith.constant 0 : index
    %get3A_33 = vector.load %arg5[%get3A_31, %get3A_32] : memref<256x128xf32, #tpu.memory_space<vmem>>, vector<256x128xf32>
    %dot_general3A = arith.constant dense<0.000000e+00> : vector<5120x128xf32>
    %dot_general3A_34 = tpu.matmul %max3A_30, %get3A_33, %dot_general3A {dimension_numbers = #tpu.dot_dimension_numbers<[1], [0], [0], [1], [0, 0, 1, 1], [], []>, transpose_lhs_hint = false} : vector<5120x256xf32>, vector<256x128xf32>, vector<5120x128xf32> -> vector<5120x128xf32>
    %get3A_35 = arith.constant 0 : index
    %get3A_36 = arith.constant 0 : index
    %get3A_37 = vector.load %arg6[%get3A_35, %get3A_36] : memref<8x128xf32, #tpu.memory_space<vmem>>, vector<1x1xf32>
    %add3A_38 = vector.broadcast %get3A_37 : vector<1x1xf32> to vector<5120x128xf32>
    %add3A_39 = arith.addf %dot_general3A_34, %add3A_38 : vector<5120x128xf32>
    %neg3A = arith.constant 0.000000e+00 : f32
    %neg3A_40 = vector.broadcast %neg3A : f32 to vector<5120x128xf32>
    %neg3A_41 = arith.subf %neg3A_40, %add3A_39 : vector<5120x128xf32>
    %exp3A = math.exp %neg3A_41 : vector<5120x128xf32>
    %add3A_42 = arith.constant 1.000000e+00 : f32
    %add3A_43 = vector.broadcast %add3A_42 : f32 to vector<5120x128xf32>
    %add3A_44 = arith.addf %add3A_43, %exp3A : vector<5120x128xf32>
    %div3A = arith.constant 1.000000e+00 : f32
    %div3A_45 = vector.broadcast %div3A : f32 to vector<5120x128xf32>
    %div3A_46 = arith.divf %div3A_45, %add3A_44 : vector<5120x128xf32>
    %swap3A = arith.constant 0 : index
    %swap3A_47 = arith.constant 0 : index
    %swap3A_48 = vector.load %arg7[%swap3A, %swap3A_47] : memref<5120x128xf32, #tpu.memory_space<vmem>>, vector<5120x128xf32>
    tpu.vector_store %arg7[%swap3A, %swap3A_47], %div3A_46 {strides = array<i32>} : memref<5120x128xf32, #tpu.memory_space<vmem>>, vector<5120x128xf32>,
    return
  }
  func.func @transform_0(%arg0: i32) -> (i32, i32, i32) {
    %c0_i32 = arith.constant 0 : i32
    %c0_i32_0 = arith.constant 0 : i32
    %c0_i32_1 = arith.constant 0 : i32
    return %c0_i32, %arg0, %c0_i32_0 : i32, i32, i32
  }
  func.func @transform_1(%arg0: i32) -> (i32, i32, i32) {
    %c0_i32 = arith.constant 0 : i32
    %c0_i32_0 = arith.constant 0 : i32
    %c0_i32_1 = arith.constant 0 : i32
    return %c0_i32, %arg0, %c0_i32_0 : i32, i32, i32
  }
  func.func @transform_2(%arg0: i32) -> (i32, i32) {
    %c0_i32 = arith.constant 0 : i32
    %c0_i32_0 = arith.constant 0 : i32
    return %arg0, %c0_i32 : i32, i32
  }
  func.func @transform_3(%arg0: i32) -> (i32, i32) {
    %c0_i32 = arith.constant 0 : i32
    %c0_i32_0 = arith.constant 0 : i32
    %c0_i32_1 = arith.constant 0 : i32
    return %c0_i32, %c0_i32_0 : i32, i32
  }
  func.func @transform_4(%arg0: i32) -> (i32, i32) {
    %c0_i32 = arith.constant 0 : i32
    %c0_i32_0 = arith.constant 0 : i32
    %c0_i32_1 = arith.constant 0 : i32
    return %c0_i32, %c0_i32_0 : i32, i32
  }
  func.func @transform_5(%arg0: i32) -> (i32, i32) {
    %c0_i32 = arith.constant 0 : i32
    %c0_i32_0 = arith.constant 0 : i32
    %c0_i32_1 = arith.constant 0 : i32
    return %c0_i32, %c0_i32_0 : i32, i32
  }
  func.func @transform_6(%arg0: i32) -> (i32, i32) {
    %c0_i32 = arith.constant 0 : i32
    %c0_i32_0 = arith.constant 0 : i32
    return %arg0, %c0_i32 : i32, i32
  }
}

</mosaic_0001>

<sc_bundles>
// kernel: kernel.11.cloned.1.call-start
scs
__scs_entry_jumppad:
0x0: {  	(pc) =	sbr.rel $0x88, $3  }
0x1: {  	(tag) =	ssettag $0x0;
	lr =	simm.s32 $0x1  }
0x2: {  	[smem:$0x3F99] =	sst lr;
	_ =	strace $0xD0000000  }
0x3: {  	_ = 	snop  }
0x4: {  	_ = 	snop  }
0x5: {  	_ = 	snop  }
0x6: {  	_ = 	snop  }
0x7: {  	_ = 	snop  }
__scs_overlays_trampoline_lowered:
0x8: {  	[smem:$0x3FA8] =	sst s0  }
0x9: {  	[smem:$0x3FA9] =	sst s1  }
0xa: {  	[smem:$0x3FAA] =	sst s2  }
0xb: {  	[smem:$0x3FAB] =	sst s3  }
0xc: {  	[smem:$0x3FAC] =	sst s4  }
0xd: {  	[smem:$0x3FAD] =	sst s5  }
0xe: {  	[smem:$0x3FAE] =	sst s6  }
0xf: {  	[smem:$0x3FAF] =	sst s7  }
0x10: {  	[smem:$0x3FB0] =	sst s8  }
0x11: {  	[smem:$0x3FB1] =	sst s9;
	s0 =	simm.s32 @!p0 $0x0  }
0x12: {  	s1 =	sld [smem:$0x3F97];
	s0 =	simm.s32 @p0 $0x1  }
0x13: {  	[smem:$0x3FB2] =	sst s0;
	s0 =	simm.s32 @!p1 $0x0  }
0x14: {  	s2 =	sld [smem:$0x3F96];
	s0 =	simm.s32 @p1 $0x1  }
0x15: {  	[smem:$0x3FB3] =	sst s0;
	s0 =	simm.s32 @!p2 $0x0  }
0x16: {  	s3 =	sld [smem:$0x3FDB];
	s0 =	simm.s32 @p2 $0x1  }
0x17: {  	s4 =	simm.s32 $0x1BF5;
	[smem:$0x3FB5] =	sst s0  }
0x18: {  	s0 =	sld [smem:$0x3F98];
	_ =	swait.ge [sflag:s4], $0x0  }
0x19: {  	s7 =	sld [smem:$0x3F99]  }
0x1a: {  	s8 =	sadd.s32 $0xFFFFE003, lr  }
0x1b: {  	s9 =	sadd.s32 $0xFFFFFEF7, lr;
	s5 =	simm.s32 $0xFFFFFFFF;
	p2 =	slt.u32 s8, $0xFFFFF086  }
0x1c: {  	p1 =	slt.u32 s9, $0xF7A;
	s5 =	simm.s32 @!p2 $0x0  }
0x1d: {  	s5 =	simm.s32 @p1 $0x1;
	p0 =	seq.s32 s7, s2  }
0x1e: {  	s7 =	smul.u32 @!p0 $0xF7A, s2;
	p2 =	seq.s32 @!p0 s5, $0x0  }
0x1f: {  	s9 =	smul.u32 $0xF7A, s1;
	s8 =	simm.s32 @!p0 $0x1BF5;
	p2 =	por !p2, p0  }
0x20: {  	[sflag:s8] =	ssyncset.s32 @!p0 $0xFFFFF086;
	s6 =	sadd.s32 @!p0 s3, s7;
	s7 =	simm.s32 @!p0 $0x108  }
0x21: {  	s3 =	sadd.s32 s3, s9;
	s6 =	sadd.s32 @!p0 $0x88, s6;
	s7 =	simm.s32 @p2 $0x1082  }
0x22: {  	[simem:s7], [sflag:s8] =	dma.local @!p0 [hbm:s6], $0xF7A  }
0x23: {  	s9 =	sor.u32 $0xD0000000, s2;
	s6 =	simm.s32 $0x108;
	_ =	swait.ge @!p0 [sflag:s8], $0x0  }
0x24: {  	s3 =	sadd.s32 $0x88, s3;
	s6 =	simm.s32 @!p1 $0x1082;
	[sflag:s4] =	ssyncset.s32 $0xFFFFF086  }
0x25: {  	[simem:s6], [sflag:s4] =	dma.local [hbm:s3], $0xF7A  }
0x26: {  	[smem:$0x3F99] =	sst s1;
	(tag) =	ssettag s2;
	_ =	strace s9  }
0x27: {  	s1 =	sld [smem:$0x3FA9]  }
0x28: {  	s2 =	sld [smem:$0x3FAA]  }
0x29: {  	s4 =	sld [smem:$0x3FAC]  }
0x2a: {  	p0 =	seq.s32 s5, $0x0;
	s5 =	sld [smem:$0x3FAD]  }
0x2b: {  	s6 =	sld [smem:$0x3FAE]  }
0x2c: {  	s7 =	sld [smem:$0x3FAF]  }
0x2d: {  	s3 =	simm.s32 $0x108;
	s8 =	sld [smem:$0x3FB0]  }
0x2e: {  	s3 =	simm.s32 @!p0 $0x1082;
	s9 =	sld [smem:$0x3FB1]  }
0x2f: {  	lr =	sadd.s32 s0, s3;
	s0 =	sld [smem:$0x3FA8]  }
0x30: {  	s3 =	sld [smem:$0x3FAB]  }
0x31: {  	[smem:$0x3FB4] =	sst s10  }
0x32: {  	s10 =	sld [smem:$0x3FB2];
	_ =	sdelay $0x3  }
0x33: {  	p0 =	seq.s32 s10, $0x1;
	s10 =	sld [smem:$0x3FB4];
	_ =	sdelay $0x3  }
0x34: {  	[smem:$0x3FB4] =	sst s10  }
0x35: {  	s10 =	sld [smem:$0x3FB3];
	_ =	sdelay $0x3  }
0x36: {  	p1 =	seq.s32 s10, $0x1;
	s10 =	sld [smem:$0x3FB4];
	_ =	sdelay $0x3  }
0x37: {  	[smem:$0x3FB4] =	sst s10  }
0x38: {  	s10 =	sld [smem:$0x3FB5]  }
0x39: {  	_ = 	snop;
	(pc) =	sbr.ind lr, $3  }
0x3a: {  	_ = 	snop  }
0x3b: {  	_ = 	snop  }
0x3c: {  	p2 =	seq.s32 s10, $0x1;
	s10 =	sld [smem:$0x3FB4]  }
0x3d: {  	_ =	shalt  }
0x3e: {  	_ =	shalt  }
0x3f: {  	_ =	shalt  }
0x40: {  	_ =	shalt  }
0x41: {  	_ =	shalt  }
0x42: {  	_ =	shalt  }
0x43: {  	_ =	shalt  }
0x44: {  	_ =	shalt  }
0x45: {  	_ =	shalt  }
0x46: {  	_ =	shalt  }
0x47: {  	_ =	shalt  }
0x48: {  	_ =	shalt  }
0x49: {  	_ =	shalt  }
0x4a: {  	_ =	shalt  }
0x4b: {  	_ =	shalt  }
0x4c: {  	_ =	shalt  }
0x4d: {  	_ =	shalt  }
0x4e: {  	_ =	shalt  }
0x4f: {  	_ =	shalt  }
0x50: {  	_ =	shalt  }
0x51: {  	_ =	shalt  }
0x52: {  	_ =	shalt  }
0x53: {  	_ =	shalt  }
0x54: {  	_ =	shalt  }
0x55: {  	_ =	shalt  }
0x56: {  	_ =	shalt  }
0x57: {  	_ =	shalt  }
0x58: {  	_ =	shalt  }
0x59: {  	_ =	shalt  }
0x5a: {  	_ =	shalt  }
0x5b: {  	_ =	shalt  }
0x5c: {  	_ =	shalt  }
0x5d: {  	_ =	shalt  }
0x5e: {  	_ =	shalt  }
0x5f: {  	_ =	shalt  }
0x60: {  	_ =	shalt  }
0x61: {  	_ =	shalt  }
0x62: {  	_ =	shalt  }
0x63: {  	_ =	shalt  }
0x64: {  	_ =	shalt  }
0x65: {  	_ =	shalt  }
0x66: {  	_ =	shalt  }
0x67: {  	_ =	shalt  }
0x68: {  	_ =	shalt  }
0x69: {  	_ =	shalt  }
0x6a: {  	_ =	shalt  }
0x6b: {  	_ =	shalt  }
0x6c: {  	_ =	shalt  }
0x6d: {  	_ =	shalt  }
0x6e: {  	_ =	shalt  }
0x6f: {  	_ =	shalt  }
0x70: {  	_ =	shalt  }
0x71: {  	_ =	shalt  }
0x72: {  	_ =	shalt  }
0x73: {  	_ =	shalt  }
0x74: {  	_ =	shalt  }
0x75: {  	_ =	shalt  }
0x76: {  	_ =	shalt  }
0x77: {  	_ =	shalt  }
0x78: {  	_ =	shalt  }
0x79: {  	_ =	shalt  }
0x7a: {  	_ =	shalt  }
0x7b: {  	_ =	shalt  }
0x7c: {  	_ =	shalt  }
0x7d: {  	_ =	shalt  }
0x7e: {  	_ =	shalt  }
0x7f: {  	_ =	shalt  }
0x80: {  	_ =	shalt  }
0x81: {  	_ =	shalt  }
0x82: {  	_ =	shalt  }
0x83: {  	_ =	shalt  }
0x84: {  	_ =	shalt  }
0x85: {  	_ =	shalt  }
0x86: {  	_ =	shalt  }
0x87: {  	_ =	shalt  }
.Lfunc_end0:
.L_simem_size_0:
called_computation.1_lowered:
.L_overlay_start_0:
0x88: {  	s2 =	sld [smem:$0x3FD9]  }
0x89: {  	s3 =	sld [smem:$0x3FFE];
	_ =	sdelay $0x1  }
0x8a: {  	s1 =	srdreg.scid  }
0x8b: {  	s0 =	sand.u32 $0x1, s1  }
0x8c: {  	s16 =	sshll.u32 s0, $0xA;
	s2 =	sadd.s32 s3, s2  }
0x8d: {  	s2 =	sadd.s32 s2, s16  }
0x8e: {  	[smem:$0x3FC0] =	sst s2  }
0x8f: {  	_ = 	snop  }
0x90: {  	(tm) =	ssettm $0x1  }
0x91: {  	s17 =	sld [smem:$0x3FFB];
	_ =	sdelay $0x3  }
0x92: {  	_ =	strace s17  }
0x93: {  	s2 =	sld [smem:$0x3FFC];
	_ =	sdelay $0x3  }
0x94: {  	_ =	strace s2  }
0x95: {  	s2 =	sld [smem:$0x3FFD];
	_ =	sdelay $0x3  }
0x96: {  	_ =	strace s2  }
0x97: {  	_ =	strace $0x8FFFFFFF  }
0x98: {  	s18 =	sld [smem:$0x3FDB];
	_ =	sdelay $0x1  }
0x99: {  	s19 =	simm.s32 $_scs_section_size  }
0x9a: {  	s4 =	simm.s32 $_size__tile_overlayer_lowered;
	s5 =	simm.s32 $_tile_overlayer_lowered  }
0x9b: {  	s22 =	simm.s32 $0x1BFF;
	s21 =	sshll.u32 s5, $0x1;
	s2 =	sadd.s32 s19, s18  }
0x9c: {  	s6 =	simm.s32 $0x0;
	s20 =	sshll.u32 s4, $0x1;
	s4 =	sadd.s32 s21, s2  }
0x9d: {  	[timem:s6], [sflag:s22] =	dma.local [hbm:s4], s20  }
0x9e: {  	_ =	swait.ge [sflag:s22], s20  }
0x9f: {  	s3 =	ssub.s32 $0x0, s20;
	[sflag:s22] =	ssyncset.done $0x0  }
0xa0: {  	[sflag:s22] =	ssyncadd.s32 s3;
	_ =	sdelay $0x1  }
0xa1: {  	s23 =	simm.s32 $0x1B8B  }
0xa2: {  	_ =	swait.ge [sflag:s23], $0x1  }
0xa3: {  	[sflag:s23] =	ssyncset.done $0x0  }
0xa4: {  	s25 =	simm.s32 $0x1B8E;
	s24 =	sld [smem:$0x3FFE];
	[sflag:s23] =	ssyncadd.s32 $0xFFFFFFFF  }
0xa5: {  	s26 =	simm.s32 $execute0_lowered;
	[smem:$0x3FD2] =	sst s25  }
0xa6: {  	s4 =	sshll.u32 s26, $0x1;
	_ =	strace $0x80000049;
	[dreg:$0x1] =	wrdreg $0xFFFFFFFF  }
0xa7: {  	s28 =	simm.s32 $_size_execute0_lowered;
	s2 =	sadd.s32 s2, s4;
	[dreg:$0x0] =	wrdreg $0x0  }
0xa8: {  	s4 =	sshll.u32 s28, $0x1;
	[dreg:$0x2] =	wrdreg s2  }
0xa9: {  	[dreg:$0x3] =	wrdreg s4  }
0xaa: {  	[dreg:$0x4] =	wrdreg $0xC0  }
0xab: {  	_ =	task [dreg:s6], $0x5FFFF  }
0xac: {  	[dreg:$0x1] =	wrdreg $0xFFFFFFFF  }
0xad: {  	[dreg:$0x0] =	wrdreg $0x60  }
0xae: {  	[dreg:$0x2] =	wrdreg s24  }
0xaf: {  	[dreg:$0x3] =	wrdreg $0xA8000  }
0xb0: {  	[dreg:$0x4] =	wrdreg $0x9  }
0xb1: {  	_ =	task.clear_ibuf [dreg:s6], $0x5FFFF;
	_ =	strace $0x90000049  }
0xb2: {  	s29 =	simm.s32 $0x9;
	_ =	strace $0x8000004B  }
0xb3: {  	_ =	swait.ge [sflag:s29], $0x1  }
0xb4: {  	[sflag:s29] =	ssyncadd.s32 $0xFFFFFFFF  }
0xb5: {  	_ =	strace $0x9000004B  }
0xb6: {  	_ =	sfence  }
0xb7: {  	s30 =	sld [smem:$0x0];
	_ =	sdelay $0x2  }
0xb8: {  	s31 =	sshll.u32 s1, $0xD;
	s1 =	sshrl.u32 s1, $0x2  }
0xb9: {  	s3 =	sand.u32 $0x4000, s31;
	s1 =	sadd.s32 s1, s30  }
0xba: {  	s0 =	sor.u32 s3, s0;
	s1 =	sshll.u32 s1, $0x11  }
0xbb: {  	s0 =	sor.u32 s1, s0  }
0xbc: {  	s0 =	sadd.s32 $0x8F2B, s0  }
0xbd: {  	[sflag:s0] =	ssyncadd.remote.s32 $0x1  }
0xbe: {  	_ =	sfence.sel $0xFFFF  }
0xbf: {  	[dreg:$0x0] =	wrdreg $0xFFFFFFFF;
	(pc) =	sbr.abs _section_cstart, $3  }
0xc0: {  	[dreg:$0x1] =	wrdreg $0xFFFFFFFF  }
0xc1: {  	_ =	task.clear_ibuf [dreg:s6], $0x2FFFF;
	_ =	strace $0x9FFFFFFF  }
0xc2: {  	(tm) =	ssettm $0x7FFFFFFF  }
0xc3: {  	_ =	shalt  }
tec
execute0_lowered:
.L_overlay_start_1:
0x0: {  	(tag) =	ssettag $0x1  }
0x1: {  	s7 =	rddreg [dreg:$0x0]  }
0x2: {  	s2 =	rddreg [dreg:$0x1]  }
0x3: {  	s0 =	rddreg [dreg:$0x2];
	s3 =	simm.s32 $0x0  }
0x4: {  	s1 =	stileid.u32;
	s4 =	srdreg.scid;
	s16 =	simm.s32 $0x80  }
0x5: {  	s17 =	simm.s32 $0x2800;
	s18 =	simm.s32 $0x1;
	s19 =	simm.s32 $0x6800  }
0x6: {  	s20 =	simm.s32 $0x2;
	s21 =	simm.s32 $0x1380;
	s22 =	simm.s32 $0x2700  }
0x7: {  	s23 =	simm.s32 $0x2780;
	[smem:$0x7FF] =	sst s3;
	s8 =	smul.u32 $0x14000, s1  }
0x8: {  	s10 =	sand.u32 $0x1, s4;
	s4 =	sadd.s32 $0x1FA00, s7;
	s5 =	sadd.s32 $0xBA00, s7  }
0x9: {  	s6 =	sadd.s32 $0x1000, s7;
	s12 =	smul.u32 $0x50000, s1;
	s31 =	sshll.u32 s1, $0x6  }
0xa: {  	_ =	strace $0x8000004A;
	s9 =	smul.u32 $0x140000, s10;
	s30 =	ssub.s32 $0x2, s10  }
0xb: {  	s10 =	smul.u32 $0x50000, s10;
	s11 =	sshrl.u32 s8, $0x3;
	s13 =	sshrl.u32 s30, $0x1  }
0xc: {  	s12 =	sshrl.u32 s12, $0x2;
	s11 =	sadd.s32 s11, s7;
	s8 =	sadd.s32 s8, s9  }
0xd: {  	s13 =	ssub.s32 s30, s13;
	s15 =	sadd.s32 s12, s2;
	s9 =	sor.u32 $0x1C03, s31  }
0xe: {  	s8 =	sshrl.u32 s8, $0x3;
	s12 =	smax.u32 s13, $0x1;
	s13 =	sshrl.u32 s15, $0x3  }
0xf: {  	s15 =	simm.s32 $0x1400;
	s14 =	sadd.s32 s8, s7;
	s7 =	sadd.s32 $0x6FA00, s11  }
0x10: {  	s8 =	smul.u32 $0xA0, s1;
	s11 =	sadd.s32 $0x97A00, s14;
	s14 =	simm.s32 $0x3  }
.LBB2_1:
0x11: {  	[spmem:s13], [sflag:s9] =	dma.local [hbm:s7], $0x2800  }
0x12: {  	_ =	swait.ge [sflag:s14], $0x2800  }
0x13: {  	[sflag:s14] =	ssyncset.done $0x0  }
0x14: {  	[sflag:s14] =	ssyncadd.s32 $0xFFFFD800  }
0x15: {  	s24 =	simm.s32 $0x0;
	[bflag:$0x0] =	sbarrier.arrive $0xFFFF  }
.LBB2_2:
0x16: {  	s25 =	smul.u32 $0x28, s24;
	_ =	sdelay $0x1  }
0x17: {  	s25 =	sadd.s32 s8, s25  }
0x18: {  	s26 =	sshll.u32 s25, $0x7  }
0x19: {  	s26 =	sadd.s32 s10, s26  }
0x1a: {  	s26 =	sshrl.u32 s26, $0x3  }
0x1b: {  	s28 =	simm.s32 $0x0;
	s26 =	sadd.s32 s5, s26  }
0x1c: {  	[tilespmem:s28], [sflag:$0x3] =	stream.linear.gather [hbm4b:s26+s28], $0x1400, $0x38;
	[tilespmem:$0x1E800] =	vst v63  }
0x1d: {  	_ =	swait.ge [sflag:s14], $0x1400  }
0x1e: {  	s25 =	sshll.u32 s25, $0x4;
	[sflag:s14] =	ssyncset.done $0x0  }
0x1f: {  	s25 =	sadd.s32 s6, s25;
	[sflag:s14] =	ssyncadd.s32 $0xFFFFEC00  }
0x20: {  	[tilespmem:s15], [sflag:$0x3] =	stream.linear.gather [hbm4b:s25+s28], $0x1400, $0x38;
	[tilespmem:$0x1E800] =	vst v63  }
0x21: {  	_ =	swait.ge [sflag:s14], $0x1400  }
0x22: {  	[sflag:s14] =	ssyncset.done $0x0  }
0x23: {  	[sflag:s14] =	ssyncadd.s32 $0xFFFFEC00  }
0x24: {  	[tilespmem:s17], [sflag:$0x1] =	stream.indirect.gather [hbm4b:s4+s16], $0x80, s28, s16, $0xb8;
	[tilespmem:$0x1E800] =	vst v63  }
0x25: {  	_ =	swait.ge [sflag:s18], $0x4000  }
0x26: {  	[sflag:s18] =	ssyncset.done $0x0  }
0x27: {  	s28 =	simm.s32 $0x80;
	[sflag:s18] =	ssyncadd.s32 $0xFFFFC000  }
0x28: {  	[tilespmem:s19], [sflag:$0x2] =	stream.indirect.gather [hbm4b:s4+s16], $0x80, s28, s16, $0xb8;
	[tilespmem:$0x1E800] =	vst v63  }
0x29: {  	s29 =	simm.s32 $0x1400  }
0x2a: {  	[spmem:s2] =	stream.indirect.scatter.add.f32 [tilespmem:s17], [sflag:$0x3], $0x80, s29, s16, $0xb8;
	[tilespmem:$0x1E800] =	vst v63  }
0x2b: {  	_ =	swait.ge [sflag:s14], $0x4000  }
0x2c: {  	[sflag:s14] =	ssyncset.done $0x0  }
0x2d: {  	[sflag:s14] =	ssyncadd.s32 $0xFFFFC000  }
0x2e: {  	_ =	swait.ge [sflag:s20], $0x4000  }
0x2f: {  	[sflag:s20] =	ssyncset.done $0x0  }
0x30: {  	s30 =	simm.s32 $0x100;
	[sflag:s20] =	ssyncadd.s32 $0xFFFFC000  }
0x31: {  	[tilespmem:s17], [sflag:$0x1] =	stream.indirect.gather [hbm4b:s4+s16], $0x80, s30, s16, $0xb8;
	[tilespmem:$0x1E800] =	vst v63  }
0x32: {  	s31 =	simm.s32 $0x1480  }
0x33: {  	[spmem:s2] =	stream.indirect.scatter.add.f32 [tilespmem:s19], [sflag:$0x3], $0x80, s31, s16, $0xb8;
	[tilespmem:$0x1E800] =	vst v63  }
0x34: {  	_ =	swait.ge [sflag:s14], $0x4000  }
0x35: {  	s25 =	simm.s32 $0x400;
	[sflag:s14] =	ssyncset.done $0x0  }
.LBB2_3:
0x36: {  	p0 =	sne.s32 s25, $0x4800  }
0x37: {  	[sflag:s14] =	ssyncadd.s32 $0xFFFFC000;
	s26 =	smov.u32 s25;
	s25 =	sadd.s32 $0x400, s25  }
0x38: {  	_ = 	snop  }
0x39: {  	_ =	swait.ge [sflag:s18], $0x4000  }
0x3a: {  	s26 =	sshra.s32 s26, $0x2;
	[sflag:s18] =	ssyncset.done $0x0  }
0x3b: {  	s28 =	sadd.s32 $0x80, s26;
	[sflag:s18] =	ssyncadd.s32 $0xFFFFC000  }
0x3c: {  	[tilespmem:s19], [sflag:$0x2] =	stream.indirect.gather [hbm4b:s4+s16], $0x80, s28, s16, $0xb8;
	[tilespmem:$0x1E800] =	vst v63  }
0x3d: {  	s28 =	sadd.s32 $0x1400, s26  }
0x3e: {  	[spmem:s2] =	stream.indirect.scatter.add.f32 [tilespmem:s17], [sflag:$0x3], $0x80, s28, s16, $0xb8;
	[tilespmem:$0x1E800] =	vst v63  }
0x3f: {  	_ =	swait.ge [sflag:s14], $0x4000  }
0x40: {  	[sflag:s14] =	ssyncset.done $0x0  }
0x41: {  	[sflag:s14] =	ssyncadd.s32 $0xFFFFC000  }
0x42: {  	_ =	swait.ge [sflag:s20], $0x4000  }
0x43: {  	[sflag:s20] =	ssyncset.done $0x0  }
0x44: {  	s28 =	sadd.s32 $0x100, s26;
	[sflag:s20] =	ssyncadd.s32 $0xFFFFC000  }
0x45: {  	[tilespmem:s17], [sflag:$0x1] =	stream.indirect.gather [hbm4b:s4+s16], $0x80, s28, s16, $0xb8;
	[tilespmem:$0x1E800] =	vst v63  }
.Ltmp0:
0x46: {  	_ = 	snop;
	(pc) =	sbr.rel @p0 .LBB2_3-.Ltmp0, $4  }
0x47: {  	s26 =	sadd.s32 $0x1480, s26  }
0x48: {  	[spmem:s2] =	stream.indirect.scatter.add.f32 [tilespmem:s19], [sflag:$0x3], $0x80, s26, s16, $0xb8;
	[tilespmem:$0x1E800] =	vst v63  }
0x49: {  	_ =	swait.ge [sflag:s14], $0x4000  }
0x4a: {  	[sflag:s14] =	ssyncset.done $0x0  }
0x4b: {  	[sflag:s14] =	ssyncadd.s32 $0xFFFFC000  }
0x4c: {  	_ =	swait.ge [sflag:s18], $0x4000  }
0x4d: {  	[sflag:s18] =	ssyncset.done $0x0  }
0x4e: {  	[sflag:s18] =	ssyncadd.s32 $0xFFFFC000  }
0x4f: {  	[tilespmem:s19], [sflag:$0x2] =	stream.indirect.gather [hbm4b:s4+s16], $0x80, s21, s16, $0xb8;
	[tilespmem:$0x1E800] =	vst v63  }
0x50: {  	_ = 	snop  }
0x51: {  	[spmem:s2] =	stream.indirect.scatter.add.f32 [tilespmem:s17], [sflag:$0x3], $0x80, s22, s16, $0xb8;
	[tilespmem:$0x1E800] =	vst v63  }
0x52: {  	_ =	swait.ge [sflag:s14], $0x4000  }
0x53: {  	[sflag:s14] =	ssyncset.done $0x0  }
0x54: {  	[sflag:s14] =	ssyncadd.s32 $0xFFFFC000  }
0x55: {  	s24 =	sadd.s32 $0x1, s24;
	_ =	swait.ge [sflag:s20], $0x4000  }
0x56: {  	p0 =	sne.s32 s24, $0x4;
	[sflag:s20] =	ssyncset.done $0x0  }
.Ltmp1:
0x57: {  	[sflag:s20] =	ssyncadd.s32 $0xFFFFC000;
	(pc) =	sbr.rel @p0 .LBB2_2-.Ltmp1, $4  }
0x58: {  	[spmem:s2] =	stream.indirect.scatter.add.f32 [tilespmem:s19], [sflag:$0x3], $0x80, s23, s16, $0xb8;
	[tilespmem:$0x1E800] =	vst v63  }
0x59: {  	_ =	swait.ge [sflag:s14], $0x4000  }
0x5a: {  	[sflag:s14] =	ssyncset.done $0x0  }
0x5b: {  	[sflag:s14] =	ssyncadd.s32 $0xFFFFC000  }
0x5c: {  	s3 =	sadd.s32 $0x1, s3  }
0x5d: {  	p0 =	sne.s32 s3, s12  }
.Ltmp2:
0x5e: {  	[bflag:$0x0] =	sbarrier.arrive $0xFFFF;
	(pc) =	sbr.rel @p0 .LBB2_1-.Ltmp2, $4  }
0x5f: {  	[hbm:s11], [sflag:s9] =	dma.local [spmem:s13], $0x2800  }
0x60: {  	_ =	swait.ge [sflag:s14], $0x2800  }
0x61: {  	[sflag:s14] =	ssyncset.done $0x0  }
0x62: {  	[sflag:s14] =	ssyncadd.s32 $0xFFFFD800  }
0x63: {  	_ =	sfence.sel $0x180000  }
0x64: {  	[bflag:$0x0] =	sbarrier.arrive $0xFFFF  }
0x65: {  	p0 =	sne.s32 s1, $0x0;
	_ =	strace $0x9000004A  }
0x66: {  	s0 =	sadd.s32 @!p0 $0x100000, s0;
	[bflag:$0x2] =	sbarrier.arrive $0xFFFF  }
0x67: {  	[sflag:s0] =	ssyncadd.tile.s32 @!p0 $0x1;
	_ =	shalt  }
.Lfunc_end2:
_tile_overlayer_lowered:
.L_overlay_start_2:
0x68: {  	(tag) =	ssettag $0x2  }
0x69: {  	s0 =	rddreg [dreg:$0x0];
	s2 =	stileid.u32  }
0x6a: {  	s1 =	rddreg [dreg:$0x1];
	p0 =	sne.s32 s2, $0x0  }
0x6b: {  	s3 =	rddreg [dreg:$0x2];
	[bflag:$0x3] =	sbarrier.arrive $0xFFFF;
	s2 =	simm.s32 @!p0 $0x1C03  }
0x6c: {  	[timem:s3], [sflag:s2] =	dma.local @!p0 [hbm:s0], s1  }
0x6d: {  	s0 =	simm.s32 @!p0 $0x3  }
0x6e: {  	_ =	swait.ge @!p0 [sflag:s0], s1  }
0x6f: {  	s1 =	ssub.s32 @!p0 $0x0, s1;
	[sflag:s0] =	ssyncset.done @!p0 $0x0  }
0x70: {  	[sflag:s0] =	ssyncadd.s32 @!p0 s1  }
0x71: {  	[bflag:$0x3] =	sbarrier.arrive $0xFFFF  }
0x72: {  	_ =	shalt  }

// kernel: kernel.14.cloned.1.call-start
scs
__scs_entry_jumppad:
0x0: {  	(pc) =	sbr.rel $0x88, $3  }
0x1: {  	(tag) =	ssettag $0x0;
	lr =	simm.s32 $0x1  }
0x2: {  	[smem:$0x3F99] =	sst lr;
	_ =	strace $0xD0000000  }
0x3: {  	_ = 	snop  }
0x4: {  	_ = 	snop  }
0x5: {  	_ = 	snop  }
0x6: {  	_ = 	snop  }
0x7: {  	_ = 	snop  }
__scs_overlays_trampoline_lowered:
0x8: {  	[smem:$0x3FA8] =	sst s0  }
0x9: {  	[smem:$0x3FA9] =	sst s1  }
0xa: {  	[smem:$0x3FAA] =	sst s2  }
0xb: {  	[smem:$0x3FAB] =	sst s3  }
0xc: {  	[smem:$0x3FAC] =	sst s4  }
0xd: {  	[smem:$0x3FAD] =	sst s5  }
0xe: {  	[smem:$0x3FAE] =	sst s6  }
0xf: {  	[smem:$0x3FAF] =	sst s7  }
0x10: {  	[smem:$0x3FB0] =	sst s8  }
0x11: {  	[smem:$0x3FB1] =	sst s9;
	s0 =	simm.s32 @!p0 $0x0  }
0x12: {  	s1 =	sld [smem:$0x3F97];
	s0 =	simm.s32 @p0 $0x1  }
0x13: {  	[smem:$0x3FB2] =	sst s0;
	s0 =	simm.s32 @!p1 $0x0  }
0x14: {  	s2 =	sld [smem:$0x3F96];
	s0 =	simm.s32 @p1 $0x1  }
0x15: {  	[smem:$0x3FB3] =	sst s0;
	s0 =	simm.s32 @!p2 $0x0  }
0x16: {  	s3 =	sld [smem:$0x3FDB];
	s0 =	simm.s32 @p2 $0x1  }
0x17: {  	s4 =	simm.s32 $0x1BF5;
	[smem:$0x3FB5] =	sst s0  }
0x18: {  	s0 =	sld [smem:$0x3F98];
	_ =	swait.ge [sflag:s4], $0x0  }
0x19: {  	s7 =	sld [smem:$0x3F99]  }
0x1a: {  	s8 =	sadd.s32 $0xFFFFE003, lr  }
0x1b: {  	s9 =	sadd.s32 $0xFFFFFEF7, lr;
	s5 =	simm.s32 $0xFFFFFFFF;
	p2 =	slt.u32 s8, $0xFFFFF086  }
0x1c: {  	p1 =	slt.u32 s9, $0xF7A;
	s5 =	simm.s32 @!p2 $0x0  }
0x1d: {  	s5 =	simm.s32 @p1 $0x1;
	p0 =	seq.s32 s7, s2  }
0x1e: {  	s7 =	smul.u32 @!p0 $0xF7A, s2;
	p2 =	seq.s32 @!p0 s5, $0x0  }
0x1f: {  	s9 =	smul.u32 $0xF7A, s1;
	s8 =	simm.s32 @!p0 $0x1BF5;
	p2 =	por !p2, p0  }
0x20: {  	[sflag:s8] =	ssyncset.s32 @!p0 $0xFFFFF086;
	s6 =	sadd.s32 @!p0 s3, s7;
	s7 =	simm.s32 @!p0 $0x108  }
0x21: {  	s3 =	sadd.s32 s3, s9;
	s6 =	sadd.s32 @!p0 $0x88, s6;
	s7 =	simm.s32 @p2 $0x1082  }
0x22: {  	[simem:s7], [sflag:s8] =	dma.local @!p0 [hbm:s6], $0xF7A  }
0x23: {  	s9 =	sor.u32 $0xD0000000, s2;
	s6 =	simm.s32 $0x108;
	_ =	swait.ge @!p0 [sflag:s8], $0x0  }
0x24: {  	s3 =	sadd.s32 $0x88, s3;
	s6 =	simm.s32 @!p1 $0x1082;
	[sflag:s4] =	ssyncset.s32 $0xFFFFF086  }
0x25: {  	[simem:s6], [sflag:s4] =	dma.local [hbm:s3], $0xF7A  }
0x26: {  	[smem:$0x3F99] =	sst s1;
	(tag) =	ssettag s2;
	_ =	strace s9  }
0x27: {  	s1 =	sld [smem:$0x3FA9]  }
0x28: {  	s2 =	sld [smem:$0x3FAA]  }
0x29: {  	s4 =	sld [smem:$0x3FAC]  }
0x2a: {  	p0 =	seq.s32 s5, $0x0;
	s5 =	sld [smem:$0x3FAD]  }
0x2b: {  	s6 =	sld [smem:$0x3FAE]  }
0x2c: {  	s7 =	sld [smem:$0x3FAF]  }
0x2d: {  	s3 =	simm.s32 $0x108;
	s8 =	sld [smem:$0x3FB0]  }
0x2e: {  	s3 =	simm.s32 @!p0 $0x1082;
	s9 =	sld [smem:$0x3FB1]  }
0x2f: {  	lr =	sadd.s32 s0, s3;
	s0 =	sld [smem:$0x3FA8]  }
0x30: {  	s3 =	sld [smem:$0x3FAB]  }
0x31: {  	[smem:$0x3FB4] =	sst s10  }
0x32: {  	s10 =	sld [smem:$0x3FB2];
	_ =	sdelay $0x3  }
0x33: {  	p0 =	seq.s32 s10, $0x1;
	s10 =	sld [smem:$0x3FB4];
	_ =	sdelay $0x3  }
0x34: {  	[smem:$0x3FB4] =	sst s10  }
0x35: {  	s10 =	sld [smem:$0x3FB3];
	_ =	sdelay $0x3  }
0x36: {  	p1 =	seq.s32 s10, $0x1;
	s10 =	sld [smem:$0x3FB4];
	_ =	sdelay $0x3  }
0x37: {  	[smem:$0x3FB4] =	sst s10  }
0x38: {  	s10 =	sld [smem:$0x3FB5]  }
0x39: {  	_ = 	snop;
	(pc) =	sbr.ind lr, $3  }
0x3a: {  	_ = 	snop  }
0x3b: {  	_ = 	snop  }
0x3c: {  	p2 =	seq.s32 s10, $0x1;
	s10 =	sld [smem:$0x3FB4]  }
0x3d: {  	_ =	shalt  }
0x3e: {  	_ =	shalt  }
0x3f: {  	_ =	shalt  }
0x40: {  	_ =	shalt  }
0x41: {  	_ =	shalt  }
0x42: {  	_ =	shalt  }
0x43: {  	_ =	shalt  }
0x44: {  	_ =	shalt  }
0x45: {  	_ =	shalt  }
0x46: {  	_ =	shalt  }
0x47: {  	_ =	shalt  }
0x48: {  	_ =	shalt  }
0x49: {  	_ =	shalt  }
0x4a: {  	_ =	shalt  }
0x4b: {  	_ =	shalt  }
0x4c: {  	_ =	shalt  }
0x4d: {  	_ =	shalt  }
0x4e: {  	_ =	shalt  }
0x4f: {  	_ =	shalt  }
0x50: {  	_ =	shalt  }
0x51: {  	_ =	shalt  }
0x52: {  	_ =	shalt  }
0x53: {  	_ =	shalt  }
0x54: {  	_ =	shalt  }
0x55: {  	_ =	shalt  }
0x56: {  	_ =	shalt  }
0x57: {  	_ =	shalt  }
0x58: {  	_ =	shalt  }
0x59: {  	_ =	shalt  }
0x5a: {  	_ =	shalt  }
0x5b: {  	_ =	shalt  }
0x5c: {  	_ =	shalt  }
0x5d: {  	_ =	shalt  }
0x5e: {  	_ =	shalt  }
0x5f: {  	_ =	shalt  }
0x60: {  	_ =	shalt  }
0x61: {  	_ =	shalt  }
0x62: {  	_ =	shalt  }
0x63: {  	_ =	shalt  }
0x64: {  	_ =	shalt  }
0x65: {  	_ =	shalt  }
0x66: {  	_ =	shalt  }
0x67: {  	_ =	shalt  }
0x68: {  	_ =	shalt  }
0x69: {  	_ =	shalt  }
0x6a: {  	_ =	shalt  }
0x6b: {  	_ =	shalt  }
0x6c: {  	_ =	shalt  }
0x6d: {  	_ =	shalt  }
0x6e: {  	_ =	shalt  }
0x6f: {  	_ =	shalt  }
0x70: {  	_ =	shalt  }
0x71: {  	_ =	shalt  }
0x72: {  	_ =	shalt  }
0x73: {  	_ =	shalt  }
0x74: {  	_ =	shalt  }
0x75: {  	_ =	shalt  }
0x76: {  	_ =	shalt  }
0x77: {  	_ =	shalt  }
0x78: {  	_ =	shalt  }
0x79: {  	_ =	shalt  }
0x7a: {  	_ =	shalt  }
0x7b: {  	_ =	shalt  }
0x7c: {  	_ =	shalt  }
0x7d: {  	_ =	shalt  }
0x7e: {  	_ =	shalt  }
0x7f: {  	_ =	shalt  }
0x80: {  	_ =	shalt  }
0x81: {  	_ =	shalt  }
0x82: {  	_ =	shalt  }
0x83: {  	_ =	shalt  }
0x84: {  	_ =	shalt  }
0x85: {  	_ =	shalt  }
0x86: {  	_ =	shalt  }
0x87: {  	_ =	shalt  }
.Lfunc_end0:
.L_simem_size_0:
called_computation.2_lowered:
.L_overlay_start_0:
0x88: {  	s2 =	sld [smem:$0x3FD9]  }
0x89: {  	s3 =	sld [smem:$0x3FFE];
	_ =	sdelay $0x1  }
0x8a: {  	s1 =	srdreg.scid  }
0x8b: {  	s0 =	sand.u32 $0x1, s1  }
0x8c: {  	s16 =	sshll.u32 s0, $0xA;
	s2 =	sadd.s32 s3, s2  }
0x8d: {  	s2 =	sadd.s32 s2, s16  }
0x8e: {  	[smem:$0x3FC0] =	sst s2  }
0x8f: {  	_ = 	snop  }
0x90: {  	(tm) =	ssettm $0x1  }
0x91: {  	s17 =	sld [smem:$0x3FFB];
	_ =	sdelay $0x3  }
0x92: {  	_ =	strace s17  }
0x93: {  	s2 =	sld [smem:$0x3FFC];
	_ =	sdelay $0x3  }
0x94: {  	_ =	strace s2  }
0x95: {  	s2 =	sld [smem:$0x3FFD];
	_ =	sdelay $0x3  }
0x96: {  	_ =	strace s2  }
0x97: {  	_ =	strace $0x8FFFFFFF  }
0x98: {  	s18 =	sld [smem:$0x3FDB];
	_ =	sdelay $0x1  }
0x99: {  	s19 =	simm.s32 $_scs_section_size  }
0x9a: {  	s4 =	simm.s32 $_size__tile_overlayer_lowered;
	s5 =	simm.s32 $_tile_overlayer_lowered  }
0x9b: {  	s22 =	simm.s32 $0x1BFF;
	s21 =	sshll.u32 s5, $0x1;
	s2 =	sadd.s32 s19, s18  }
0x9c: {  	s6 =	simm.s32 $0x0;
	s20 =	sshll.u32 s4, $0x1;
	s4 =	sadd.s32 s21, s2  }
0x9d: {  	[timem:s6], [sflag:s22] =	dma.local [hbm:s4], s20  }
0x9e: {  	_ =	swait.ge [sflag:s22], s20  }
0x9f: {  	s3 =	ssub.s32 $0x0, s20;
	[sflag:s22] =	ssyncset.done $0x0  }
0xa0: {  	[sflag:s22] =	ssyncadd.s32 s3;
	_ =	sdelay $0x1  }
0xa1: {  	s23 =	simm.s32 $0x1B8B  }
0xa2: {  	_ =	swait.ge [sflag:s23], $0x1  }
0xa3: {  	[sflag:s23] =	ssyncset.done $0x0  }
0xa4: {  	s25 =	simm.s32 $0x1B8E;
	s24 =	sld [smem:$0x3FFE];
	[sflag:s23] =	ssyncadd.s32 $0xFFFFFFFF  }
0xa5: {  	s26 =	simm.s32 $execute0_lowered;
	[smem:$0x3FD2] =	sst s25  }
0xa6: {  	s4 =	sshll.u32 s26, $0x1;
	_ =	strace $0x8000004C;
	[dreg:$0x1] =	wrdreg $0xFFFFFFFF  }
0xa7: {  	s28 =	simm.s32 $_size_execute0_lowered;
	s2 =	sadd.s32 s2, s4;
	[dreg:$0x0] =	wrdreg $0x0  }
0xa8: {  	s4 =	sshll.u32 s28, $0x1;
	[dreg:$0x2] =	wrdreg s2  }
0xa9: {  	[dreg:$0x3] =	wrdreg s4  }
0xaa: {  	[dreg:$0x4] =	wrdreg $0xC0  }
0xab: {  	_ =	task [dreg:s6], $0x5FFFF  }
0xac: {  	[dreg:$0x1] =	wrdreg $0xFFFFFFFF  }
0xad: {  	[dreg:$0x0] =	wrdreg $0x60  }
0xae: {  	[dreg:$0x2] =	wrdreg s24  }
0xaf: {  	[dreg:$0x3] =	wrdreg $0xA8000  }
0xb0: {  	[dreg:$0x4] =	wrdreg $0x9  }
0xb1: {  	_ =	task.clear_ibuf [dreg:s6], $0x5FFFF;
	_ =	strace $0x9000004C  }
0xb2: {  	s29 =	simm.s32 $0x9;
	_ =	strace $0x8000004E  }
0xb3: {  	_ =	swait.ge [sflag:s29], $0x1  }
0xb4: {  	[sflag:s29] =	ssyncadd.s32 $0xFFFFFFFF  }
0xb5: {  	_ =	strace $0x9000004E  }
0xb6: {  	_ =	sfence  }
0xb7: {  	s30 =	sld [smem:$0x0];
	_ =	sdelay $0x2  }
0xb8: {  	s31 =	sshll.u32 s1, $0xD;
	s1 =	sshrl.u32 s1, $0x2  }
0xb9: {  	s3 =	sand.u32 $0x4000, s31;
	s1 =	sadd.s32 s1, s30  }
0xba: {  	s0 =	sor.u32 s3, s0;
	s1 =	sshll.u32 s1, $0x11  }
0xbb: {  	s0 =	sor.u32 s1, s0  }
0xbc: {  	s0 =	sadd.s32 $0x8F2B, s0  }
0xbd: {  	[sflag:s0] =	ssyncadd.remote.s32 $0x1  }
0xbe: {  	_ =	sfence.sel $0xFFFF  }
0xbf: {  	[dreg:$0x0] =	wrdreg $0xFFFFFFFF;
	(pc) =	sbr.abs _section_cstart, $3  }
0xc0: {  	[dreg:$0x1] =	wrdreg $0xFFFFFFFF  }
0xc1: {  	_ =	task.clear_ibuf [dreg:s6], $0x2FFFF;
	_ =	strace $0x9FFFFFFF  }
0xc2: {  	(tm) =	ssettm $0x7FFFFFFF  }
0xc3: {  	_ =	shalt  }
tec
execute0_lowered:
.L_overlay_start_1:
0x0: {  	(tag) =	ssettag $0x1  }
0x1: {  	s7 =	rddreg [dreg:$0x0]  }
0x2: {  	s2 =	rddreg [dreg:$0x1]  }
0x3: {  	s0 =	rddreg [dreg:$0x2];
	s3 =	simm.s32 $0x0  }
0x4: {  	s1 =	stileid.u32;
	s4 =	srdreg.scid;
	s16 =	simm.s32 $0x80  }
0x5: {  	s17 =	simm.s32 $0x2800;
	s18 =	simm.s32 $0x1;
	s19 =	simm.s32 $0x6800  }
0x6: {  	s20 =	simm.s32 $0x2;
	s21 =	simm.s32 $0x1380;
	s22 =	simm.s32 $0x2700  }
0x7: {  	s23 =	simm.s32 $0x2780;
	[smem:$0x7FF] =	sst s3;
	s8 =	smul.u32 $0x14000, s1  }
0x8: {  	s10 =	sand.u32 $0x1, s4;
	s4 =	sadd.s32 $0x1FA00, s7;
	s5 =	sadd.s32 $0xBA00, s7  }
0x9: {  	s6 =	sadd.s32 $0x1000, s7;
	s12 =	smul.u32 $0x50000, s1;
	s31 =	sshll.u32 s1, $0x6  }
0xa: {  	_ =	strace $0x8000004D;
	s9 =	smul.u32 $0x140000, s10;
	s30 =	ssub.s32 $0x2, s10  }
0xb: {  	s10 =	smul.u32 $0x50000, s10;
	s11 =	sshrl.u32 s8, $0x3;
	s13 =	sshrl.u32 s30, $0x1  }
0xc: {  	s12 =	sshrl.u32 s12, $0x2;
	s11 =	sadd.s32 s11, s7;
	s8 =	sadd.s32 s8, s9  }
0xd: {  	s13 =	ssub.s32 s30, s13;
	s15 =	sadd.s32 s12, s2;
	s9 =	sor.u32 $0x1C03, s31  }
0xe: {  	s8 =	sshrl.u32 s8, $0x3;
	s12 =	smax.u32 s13, $0x1;
	s13 =	sshrl.u32 s15, $0x3  }
0xf: {  	s15 =	simm.s32 $0x1400;
	s14 =	sadd.s32 s8, s7;
	s7 =	sadd.s32 $0x6FA00, s11  }
0x10: {  	s8 =	smul.u32 $0xA0, s1;
	s11 =	sadd.s32 $0x97A00, s14;
	s14 =	simm.s32 $0x3  }
.LBB2_1:
0x11: {  	[spmem:s13], [sflag:s9] =	dma.local [hbm:s7], $0x2800  }
0x12: {  	_ =	swait.ge [sflag:s14], $0x2800  }
0x13: {  	[sflag:s14] =	ssyncset.done $0x0  }
0x14: {  	[sflag:s14] =	ssyncadd.s32 $0xFFFFD800  }
0x15: {  	s24 =	simm.s32 $0x0;
	[bflag:$0x0] =	sbarrier.arrive $0xFFFF  }
.LBB2_2:
0x16: {  	s25 =	smul.u32 $0x28, s24;
	_ =	sdelay $0x1  }
0x17: {  	s25 =	sadd.s32 s8, s25  }
0x18: {  	s26 =	sshll.u32 s25, $0x7  }
0x19: {  	s26 =	sadd.s32 s10, s26  }
0x1a: {  	s26 =	sshrl.u32 s26, $0x3  }
0x1b: {  	s28 =	simm.s32 $0x0;
	s26 =	sadd.s32 s5, s26  }
0x1c: {  	[tilespmem:s28], [sflag:$0x3] =	stream.linear.gather [hbm4b:s26+s28], $0x1400, $0x38;
	[tilespmem:$0x1E800] =	vst v63  }
0x1d: {  	_ =	swait.ge [sflag:s14], $0x1400  }
0x1e: {  	s25 =	sshll.u32 s25, $0x4;
	[sflag:s14] =	ssyncset.done $0x0  }
0x1f: {  	s25 =	sadd.s32 s6, s25;
	[sflag:s14] =	ssyncadd.s32 $0xFFFFEC00  }
0x20: {  	[tilespmem:s15], [sflag:$0x3] =	stream.linear.gather [hbm4b:s25+s28], $0x1400, $0x38;
	[tilespmem:$0x1E800] =	vst v63  }
0x21: {  	_ =	swait.ge [sflag:s14], $0x1400  }
0x22: {  	[sflag:s14] =	ssyncset.done $0x0  }
0x23: {  	[sflag:s14] =	ssyncadd.s32 $0xFFFFEC00  }
0x24: {  	[tilespmem:s17], [sflag:$0x1] =	stream.indirect.gather [hbm4b:s4+s16], $0x80, s28, s16, $0xb8;
	[tilespmem:$0x1E800] =	vst v63  }
0x25: {  	_ =	swait.ge [sflag:s18], $0x4000  }
0x26: {  	[sflag:s18] =	ssyncset.done $0x0  }
0x27: {  	s28 =	simm.s32 $0x80;
	[sflag:s18] =	ssyncadd.s32 $0xFFFFC000  }
0x28: {  	[tilespmem:s19], [sflag:$0x2] =	stream.indirect.gather [hbm4b:s4+s16], $0x80, s28, s16, $0xb8;
	[tilespmem:$0x1E800] =	vst v63  }
0x29: {  	s29 =	simm.s32 $0x1400  }
0x2a: {  	[spmem:s2] =	stream.indirect.scatter.add.f32 [tilespmem:s17], [sflag:$0x3], $0x80, s29, s16, $0xb8;
	[tilespmem:$0x1E800] =	vst v63  }
0x2b: {  	_ =	swait.ge [sflag:s14], $0x4000  }
0x2c: {  	[sflag:s14] =	ssyncset.done $0x0  }
0x2d: {  	[sflag:s14] =	ssyncadd.s32 $0xFFFFC000  }
0x2e: {  	_ =	swait.ge [sflag:s20], $0x4000  }
0x2f: {  	[sflag:s20] =	ssyncset.done $0x0  }
0x30: {  	s30 =	simm.s32 $0x100;
	[sflag:s20] =	ssyncadd.s32 $0xFFFFC000  }
0x31: {  	[tilespmem:s17], [sflag:$0x1] =	stream.indirect.gather [hbm4b:s4+s16], $0x80, s30, s16, $0xb8;
	[tilespmem:$0x1E800] =	vst v63  }
0x32: {  	s31 =	simm.s32 $0x1480  }
0x33: {  	[spmem:s2] =	stream.indirect.scatter.add.f32 [tilespmem:s19], [sflag:$0x3], $0x80, s31, s16, $0xb8;
	[tilespmem:$0x1E800] =	vst v63  }
0x34: {  	_ =	swait.ge [sflag:s14], $0x4000  }
0x35: {  	s25 =	simm.s32 $0x400;
	[sflag:s14] =	ssyncset.done $0x0  }
.LBB2_3:
0x36: {  	p0 =	sne.s32 s25, $0x4800  }
0x37: {  	[sflag:s14] =	ssyncadd.s32 $0xFFFFC000;
	s26 =	smov.u32 s25;
	s25 =	sadd.s32 $0x400, s25  }
0x38: {  	_ = 	snop  }
0x39: {  	_ =	swait.ge [sflag:s18], $0x4000  }
0x3a: {  	s26 =	sshra.s32 s26, $0x2;
	[sflag:s18] =	ssyncset.done $0x0  }
0x3b: {  	s28 =	sadd.s32 $0x80, s26;
	[sflag:s18] =	ssyncadd.s32 $0xFFFFC000  }
0x3c: {  	[tilespmem:s19], [sflag:$0x2] =	stream.indirect.gather [hbm4b:s4+s16], $0x80, s28, s16, $0xb8;
	[tilespmem:$0x1E800] =	vst v63  }
0x3d: {  	s28 =	sadd.s32 $0x1400, s26  }
0x3e: {  	[spmem:s2] =	stream.indirect.scatter.add.f32 [tilespmem:s17], [sflag:$0x3], $0x80, s28, s16, $0xb8;
	[tilespmem:$0x1E800] =	vst v63  }
0x3f: {  	_ =	swait.ge [sflag:s14], $0x4000  }
0x40: {  	[sflag:s14] =	ssyncset.done $0x0  }
0x41: {  	[sflag:s14] =	ssyncadd.s32 $0xFFFFC000  }
0x42: {  	_ =	swait.ge [sflag:s20], $0x4000  }
0x43: {  	[sflag:s20] =	ssyncset.done $0x0  }
0x44: {  	s28 =	sadd.s32 $0x100, s26;
	[sflag:s20] =	ssyncadd.s32 $0xFFFFC000  }
0x45: {  	[tilespmem:s17], [sflag:$0x1] =	stream.indirect.gather [hbm4b:s4+s16], $0x80, s28, s16, $0xb8;
	[tilespmem:$0x1E800] =	vst v63  }
.Ltmp0:
0x46: {  	_ = 	snop;
	(pc) =	sbr.rel @p0 .LBB2_3-.Ltmp0, $4  }
0x47: {  	s26 =	sadd.s32 $0x1480, s26  }
0x48: {  	[spmem:s2] =	stream.indirect.scatter.add.f32 [tilespmem:s19], [sflag:$0x3], $0x80, s26, s16, $0xb8;
	[tilespmem:$0x1E800] =	vst v63  }
0x49: {  	_ =	swait.ge [sflag:s14], $0x4000  }
0x4a: {  	[sflag:s14] =	ssyncset.done $0x0  }
0x4b: {  	[sflag:s14] =	ssyncadd.s32 $0xFFFFC000  }
0x4c: {  	_ =	swait.ge [sflag:s18], $0x4000  }
0x4d: {  	[sflag:s18] =	ssyncset.done $0x0  }
0x4e: {  	[sflag:s18] =	ssyncadd.s32 $0xFFFFC000  }
0x4f: {  	[tilespmem:s19], [sflag:$0x2] =	stream.indirect.gather [hbm4b:s4+s16], $0x80, s21, s16, $0xb8;
	[tilespmem:$0x1E800] =	vst v63  }
0x50: {  	_ = 	snop  }
0x51: {  	[spmem:s2] =	stream.indirect.scatter.add.f32 [tilespmem:s17], [sflag:$0x3], $0x80, s22, s16, $0xb8;
	[tilespmem:$0x1E800] =	vst v63  }
0x52: {  	_ =	swait.ge [sflag:s14], $0x4000  }
0x53: {  	[sflag:s14] =	ssyncset.done $0x0  }
0x54: {  	[sflag:s14] =	ssyncadd.s32 $0xFFFFC000  }
0x55: {  	s24 =	sadd.s32 $0x1, s24;
	_ =	swait.ge [sflag:s20], $0x4000  }
0x56: {  	p0 =	sne.s32 s24, $0x4;
	[sflag:s20] =	ssyncset.done $0x0  }
.Ltmp1:
0x57: {  	[sflag:s20] =	ssyncadd.s32 $0xFFFFC000;
	(pc) =	sbr.rel @p0 .LBB2_2-.Ltmp1, $4  }
0x58: {  	[spmem:s2] =	stream.indirect.scatter.add.f32 [tilespmem:s19], [sflag:$0x3], $0x80, s23, s16, $0xb8;
	[tilespmem:$0x1E800] =	vst v63  }
0x59: {  	_ =	swait.ge [sflag:s14], $0x4000  }
0x5a: {  	[sflag:s14] =	ssyncset.done $0x0  }
0x5b: {  	[sflag:s14] =	ssyncadd.s32 $0xFFFFC000  }
0x5c: {  	s3 =	sadd.s32 $0x1, s3  }
0x5d: {  	p0 =	sne.s32 s3, s12  }
.Ltmp2:
0x5e: {  	[bflag:$0x0] =	sbarrier.arrive $0xFFFF;
	(pc) =	sbr.rel @p0 .LBB2_1-.Ltmp2, $4  }
0x5f: {  	[hbm:s11], [sflag:s9] =	dma.local [spmem:s13], $0x2800  }
0x60: {  	_ =	swait.ge [sflag:s14], $0x2800  }
0x61: {  	[sflag:s14] =	ssyncset.done $0x0  }
0x62: {  	[sflag:s14] =	ssyncadd.s32 $0xFFFFD800  }
0x63: {  	_ =	sfence.sel $0x180000  }
0x64: {  	[bflag:$0x0] =	sbarrier.arrive $0xFFFF  }
0x65: {  	p0 =	sne.s32 s1, $0x0;
	_ =	strace $0x9000004D  }
0x66: {  	s0 =	sadd.s32 @!p0 $0x100000, s0;
	[bflag:$0x2] =	sbarrier.arrive $0xFFFF  }
0x67: {  	[sflag:s0] =	ssyncadd.tile.s32 @!p0 $0x1;
	_ =	shalt  }
.Lfunc_end2:
_tile_overlayer_lowered:
.L_overlay_start_2:
0x68: {  	(tag) =	ssettag $0x2  }
0x69: {  	s0 =	rddreg [dreg:$0x0];
	s2 =	stileid.u32  }
0x6a: {  	s1 =	rddreg [dreg:$0x1];
	p0 =	sne.s32 s2, $0x0  }
0x6b: {  	s3 =	rddreg [dreg:$0x2];
	[bflag:$0x3] =	sbarrier.arrive $0xFFFF;
	s2 =	simm.s32 @!p0 $0x1C03  }
0x6c: {  	[timem:s3], [sflag:s2] =	dma.local @!p0 [hbm:s0], s1  }
0x6d: {  	s0 =	simm.s32 @!p0 $0x3  }
0x6e: {  	_ =	swait.ge @!p0 [sflag:s0], s1  }
0x6f: {  	s1 =	ssub.s32 @!p0 $0x0, s1;
	[sflag:s0] =	ssyncset.done @!p0 $0x0  }
0x70: {  	[sflag:s0] =	ssyncadd.s32 @!p0 s1  }
0x71: {  	[bflag:$0x3] =	sbarrier.arrive $0xFFFF  }
0x72: {  	_ =	shalt  }

// kernel: kernel.8.cloned.1.call-start
scs
__scs_entry_jumppad:
0x0: {  	(pc) =	sbr.rel $0x88, $3  }
0x1: {  	(tag) =	ssettag $0x0;
	lr =	simm.s32 $0x1  }
0x2: {  	[smem:$0x3F99] =	sst lr;
	_ =	strace $0xD0000000  }
0x3: {  	_ = 	snop  }
0x4: {  	_ = 	snop  }
0x5: {  	_ = 	snop  }
0x6: {  	_ = 	snop  }
0x7: {  	_ = 	snop  }
__scs_overlays_trampoline_lowered:
0x8: {  	[smem:$0x3FA8] =	sst s0  }
0x9: {  	[smem:$0x3FA9] =	sst s1  }
0xa: {  	[smem:$0x3FAA] =	sst s2  }
0xb: {  	[smem:$0x3FAB] =	sst s3  }
0xc: {  	[smem:$0x3FAC] =	sst s4  }
0xd: {  	[smem:$0x3FAD] =	sst s5  }
0xe: {  	[smem:$0x3FAE] =	sst s6  }
0xf: {  	[smem:$0x3FAF] =	sst s7  }
0x10: {  	[smem:$0x3FB0] =	sst s8  }
0x11: {  	[smem:$0x3FB1] =	sst s9;
	s0 =	simm.s32 @!p0 $0x0  }
0x12: {  	s1 =	sld [smem:$0x3F97];
	s0 =	simm.s32 @p0 $0x1  }
0x13: {  	[smem:$0x3FB2] =	sst s0;
	s0 =	simm.s32 @!p1 $0x0  }
0x14: {  	s2 =	sld [smem:$0x3F96];
	s0 =	simm.s32 @p1 $0x1  }
0x15: {  	[smem:$0x3FB3] =	sst s0;
	s0 =	simm.s32 @!p2 $0x0  }
0x16: {  	s3 =	sld [smem:$0x3FDB];
	s0 =	simm.s32 @p2 $0x1  }
0x17: {  	s4 =	simm.s32 $0x1BF5;
	[smem:$0x3FB5] =	sst s0  }
0x18: {  	s0 =	sld [smem:$0x3F98];
	_ =	swait.ge [sflag:s4], $0x0  }
0x19: {  	s7 =	sld [smem:$0x3F99]  }
0x1a: {  	s8 =	sadd.s32 $0xFFFFE003, lr  }
0x1b: {  	s9 =	sadd.s32 $0xFFFFFEF7, lr;
	s5 =	simm.s32 $0xFFFFFFFF;
	p2 =	slt.u32 s8, $0xFFFFF086  }
0x1c: {  	p1 =	slt.u32 s9, $0xF7A;
	s5 =	simm.s32 @!p2 $0x0  }
0x1d: {  	s5 =	simm.s32 @p1 $0x1;
	p0 =	seq.s32 s7, s2  }
0x1e: {  	s7 =	smul.u32 @!p0 $0xF7A, s2;
	p2 =	seq.s32 @!p0 s5, $0x0  }
0x1f: {  	s9 =	smul.u32 $0xF7A, s1;
	s8 =	simm.s32 @!p0 $0x1BF5;
	p2 =	por !p2, p0  }
0x20: {  	[sflag:s8] =	ssyncset.s32 @!p0 $0xFFFFF086;
	s6 =	sadd.s32 @!p0 s3, s7;
	s7 =	simm.s32 @!p0 $0x108  }
0x21: {  	s3 =	sadd.s32 s3, s9;
	s6 =	sadd.s32 @!p0 $0x88, s6;
	s7 =	simm.s32 @p2 $0x1082  }
0x22: {  	[simem:s7], [sflag:s8] =	dma.local @!p0 [hbm:s6], $0xF7A  }
0x23: {  	s9 =	sor.u32 $0xD0000000, s2;
	s6 =	simm.s32 $0x108;
	_ =	swait.ge @!p0 [sflag:s8], $0x0  }
0x24: {  	s3 =	sadd.s32 $0x88, s3;
	s6 =	simm.s32 @!p1 $0x1082;
	[sflag:s4] =	ssyncset.s32 $0xFFFFF086  }
0x25: {  	[simem:s6], [sflag:s4] =	dma.local [hbm:s3], $0xF7A  }
0x26: {  	[smem:$0x3F99] =	sst s1;
	(tag) =	ssettag s2;
	_ =	strace s9  }
0x27: {  	s1 =	sld [smem:$0x3FA9]  }
0x28: {  	s2 =	sld [smem:$0x3FAA]  }
0x29: {  	s4 =	sld [smem:$0x3FAC]  }
0x2a: {  	p0 =	seq.s32 s5, $0x0;
	s5 =	sld [smem:$0x3FAD]  }
0x2b: {  	s6 =	sld [smem:$0x3FAE]  }
0x2c: {  	s7 =	sld [smem:$0x3FAF]  }
0x2d: {  	s3 =	simm.s32 $0x108;
	s8 =	sld [smem:$0x3FB0]  }
0x2e: {  	s3 =	simm.s32 @!p0 $0x1082;
	s9 =	sld [smem:$0x3FB1]  }
0x2f: {  	lr =	sadd.s32 s0, s3;
	s0 =	sld [smem:$0x3FA8]  }
0x30: {  	s3 =	sld [smem:$0x3FAB]  }
0x31: {  	[smem:$0x3FB4] =	sst s10  }
0x32: {  	s10 =	sld [smem:$0x3FB2];
	_ =	sdelay $0x3  }
0x33: {  	p0 =	seq.s32 s10, $0x1;
	s10 =	sld [smem:$0x3FB4];
	_ =	sdelay $0x3  }
0x34: {  	[smem:$0x3FB4] =	sst s10  }
0x35: {  	s10 =	sld [smem:$0x3FB3];
	_ =	sdelay $0x3  }
0x36: {  	p1 =	seq.s32 s10, $0x1;
	s10 =	sld [smem:$0x3FB4];
	_ =	sdelay $0x3  }
0x37: {  	[smem:$0x3FB4] =	sst s10  }
0x38: {  	s10 =	sld [smem:$0x3FB5]  }
0x39: {  	_ = 	snop;
	(pc) =	sbr.ind lr, $3  }
0x3a: {  	_ = 	snop  }
0x3b: {  	_ = 	snop  }
0x3c: {  	p2 =	seq.s32 s10, $0x1;
	s10 =	sld [smem:$0x3FB4]  }
0x3d: {  	_ =	shalt  }
0x3e: {  	_ =	shalt  }
0x3f: {  	_ =	shalt  }
0x40: {  	_ =	shalt  }
0x41: {  	_ =	shalt  }
0x42: {  	_ =	shalt  }
0x43: {  	_ =	shalt  }
0x44: {  	_ =	shalt  }
0x45: {  	_ =	shalt  }
0x46: {  	_ =	shalt  }
0x47: {  	_ =	shalt  }
0x48: {  	_ =	shalt  }
0x49: {  	_ =	shalt  }
0x4a: {  	_ =	shalt  }
0x4b: {  	_ =	shalt  }
0x4c: {  	_ =	shalt  }
0x4d: {  	_ =	shalt  }
0x4e: {  	_ =	shalt  }
0x4f: {  	_ =	shalt  }
0x50: {  	_ =	shalt  }
0x51: {  	_ =	shalt  }
0x52: {  	_ =	shalt  }
0x53: {  	_ =	shalt  }
0x54: {  	_ =	shalt  }
0x55: {  	_ =	shalt  }
0x56: {  	_ =	shalt  }
0x57: {  	_ =	shalt  }
0x58: {  	_ =	shalt  }
0x59: {  	_ =	shalt  }
0x5a: {  	_ =	shalt  }
0x5b: {  	_ =	shalt  }
0x5c: {  	_ =	shalt  }
0x5d: {  	_ =	shalt  }
0x5e: {  	_ =	shalt  }
0x5f: {  	_ =	shalt  }
0x60: {  	_ =	shalt  }
0x61: {  	_ =	shalt  }
0x62: {  	_ =	shalt  }
0x63: {  	_ =	shalt  }
0x64: {  	_ =	shalt  }
0x65: {  	_ =	shalt  }
0x66: {  	_ =	shalt  }
0x67: {  	_ =	shalt  }
0x68: {  	_ =	shalt  }
0x69: {  	_ =	shalt  }
0x6a: {  	_ =	shalt  }
0x6b: {  	_ =	shalt  }
0x6c: {  	_ =	shalt  }
0x6d: {  	_ =	shalt  }
0x6e: {  	_ =	shalt  }
0x6f: {  	_ =	shalt  }
0x70: {  	_ =	shalt  }
0x71: {  	_ =	shalt  }
0x72: {  	_ =	shalt  }
0x73: {  	_ =	shalt  }
0x74: {  	_ =	shalt  }
0x75: {  	_ =	shalt  }
0x76: {  	_ =	shalt  }
0x77: {  	_ =	shalt  }
0x78: {  	_ =	shalt  }
0x79: {  	_ =	shalt  }
0x7a: {  	_ =	shalt  }
0x7b: {  	_ =	shalt  }
0x7c: {  	_ =	shalt  }
0x7d: {  	_ =	shalt  }
0x7e: {  	_ =	shalt  }
0x7f: {  	_ =	shalt  }
0x80: {  	_ =	shalt  }
0x81: {  	_ =	shalt  }
0x82: {  	_ =	shalt  }
0x83: {  	_ =	shalt  }
0x84: {  	_ =	shalt  }
0x85: {  	_ =	shalt  }
0x86: {  	_ =	shalt  }
0x87: {  	_ =	shalt  }
.Lfunc_end0:
.L_simem_size_0:
called_computation_lowered:
.L_overlay_start_0:
0x88: {  	s2 =	sld [smem:$0x3FD9]  }
0x89: {  	s3 =	sld [smem:$0x3FFE];
	_ =	sdelay $0x1  }
0x8a: {  	s1 =	srdreg.scid  }
0x8b: {  	s0 =	sand.u32 $0x1, s1  }
0x8c: {  	s17 =	sshll.u32 s0, $0xA;
	s2 =	sadd.s32 s3, s2  }
0x8d: {  	s2 =	sadd.s32 s2, s17  }
0x8e: {  	[smem:$0x3FC0] =	sst s2  }
0x8f: {  	_ = 	snop  }
0x90: {  	s2 =	sld [smem:$0x3FD0];
	(tm) =	ssettm $0x1  }
0x91: {  	s18 =	sld [smem:$0x3FFB];
	_ =	sdelay $0x3  }
0x92: {  	_ =	strace s18  }
0x93: {  	s3 =	sld [smem:$0x3FFC];
	_ =	sdelay $0x3  }
0x94: {  	_ =	strace s3  }
0x95: {  	s3 =	sld [smem:$0x3FFD];
	_ =	sdelay $0x3  }
0x96: {  	_ =	strace s3  }
0x97: {  	_ =	strace $0x8FFFFFFF  }
0x98: {  	s19 =	sld [smem:$0x3FDB];
	_ =	sdelay $0x1  }
0x99: {  	s4 =	simm.s32 $_scs_section_size  }
0x9a: {  	s5 =	simm.s32 $_size__tile_overlayer_lowered;
	s6 =	simm.s32 $_tile_overlayer_lowered  }
0x9b: {  	s22 =	simm.s32 $0x1BFF;
	s21 =	sshll.u32 s6, $0x1;
	s3 =	sadd.s32 s4, s19  }
0x9c: {  	s7 =	simm.s32 $0x0;
	s20 =	sshll.u32 s5, $0x1;
	s5 =	sadd.s32 s21, s3  }
0x9d: {  	[timem:s7], [sflag:s22] =	dma.local [hbm:s5], s20  }
0x9e: {  	_ =	swait.ge [sflag:s22], s20  }
0x9f: {  	s4 =	ssub.s32 $0x0, s20;
	[sflag:s22] =	ssyncset.done $0x0  }
0xa0: {  	[sflag:s22] =	ssyncadd.s32 s4;
	_ =	sdelay $0x1  }
0xa1: {  	s23 =	simm.s32 $0x1B8B  }
0xa2: {  	_ =	swait.ge [sflag:s23], $0x1  }
0xa3: {  	[sflag:s23] =	ssyncset.done $0x0  }
0xa4: {  	s25 =	simm.s32 $0x1B8E;
	s24 =	sld [smem:$0x3FFE];
	[sflag:s23] =	ssyncadd.s32 $0xFFFFFFFF  }
0xa5: {  	s26 =	simm.s32 $execute0_lowered;
	[smem:$0x3FD2] =	sst s25  }
0xa6: {  	s5 =	sshll.u32 s26, $0x1;
	_ =	strace $0x80000046;
	[dreg:$0x1] =	wrdreg $0xFFFFFFFF  }
0xa7: {  	s28 =	simm.s32 $_size_execute0_lowered;
	s3 =	sadd.s32 s3, s5;
	[dreg:$0x0] =	wrdreg $0x0  }
0xa8: {  	s5 =	sshll.u32 s28, $0x1;
	[dreg:$0x2] =	wrdreg s3  }
0xa9: {  	[dreg:$0x3] =	wrdreg s5  }
0xaa: {  	[dreg:$0x4] =	wrdreg $0xC0  }
0xab: {  	_ =	task [dreg:s7], $0x5FFFF  }
0xac: {  	[dreg:$0x1] =	wrdreg $0xFFFFFFFF  }
0xad: {  	[dreg:$0x0] =	wrdreg $0x60  }
0xae: {  	[dreg:$0x2] =	wrdreg s24  }
0xaf: {  	[dreg:$0x3] =	wrdreg s2  }
0xb0: {  	[dreg:$0x4] =	wrdreg $0x2B000  }
0xb1: {  	[dreg:$0x5] =	wrdreg $0x9  }
0xb2: {  	_ =	task.clear_ibuf [dreg:s7], $0x6FFFF;
	_ =	strace $0x90000046  }
0xb3: {  	s29 =	simm.s32 $0x9;
	_ =	strace $0x80000048  }
0xb4: {  	_ =	swait.ge [sflag:s29], $0x1  }
0xb5: {  	[sflag:s29] =	ssyncadd.s32 $0xFFFFFFFF  }
0xb6: {  	_ =	strace $0x90000048  }
0xb7: {  	_ =	sfence  }
0xb8: {  	s30 =	sld [smem:$0x0];
	_ =	sdelay $0x2  }
0xb9: {  	s31 =	sshll.u32 s1, $0xD;
	s1 =	sshrl.u32 s1, $0x2  }
0xba: {  	s3 =	sand.u32 $0x4000, s31;
	s1 =	sadd.s32 s1, s30  }
0xbb: {  	s0 =	sor.u32 s3, s0;
	s1 =	sshll.u32 s1, $0x11  }
0xbc: {  	s0 =	sor.u32 s1, s0  }
0xbd: {  	s0 =	sadd.s32 $0x8F2B, s0  }
0xbe: {  	[sflag:s0] =	ssyncadd.remote.s32 $0x1  }
0xbf: {  	_ =	sfence.sel $0xFFFF  }
0xc0: {  	[dreg:$0x0] =	wrdreg $0xFFFFFFFF;
	(pc) =	sbr.abs _section_cstart, $3  }
0xc1: {  	[dreg:$0x1] =	wrdreg $0xFFFFFFFF  }
0xc2: {  	_ =	task.clear_ibuf [dreg:s7], $0x2FFFF;
	_ =	strace $0x9FFFFFFF  }
0xc3: {  	(tm) =	ssettm $0x7FFFFFFF  }
tec
execute0_lowered:
.L_overlay_start_1:
0x0: {  	(tag) =	ssettag $0x1  }
0x1: {  	s5 =	rddreg [dreg:$0x0]  }
0x2: {  	s1 =	rddreg [dreg:$0x1]  }
0x3: {  	s2 =	rddreg [dreg:$0x2];
	s3 =	srdreg.scid  }
0x4: {  	s0 =	rddreg [dreg:$0x3];
	s4 =	simm.s32 $0x0;
	s11 =	simm.s32 $0x2800  }
0x5: {  	s12 =	simm.s32 $0x80;
	s15 =	simm.s32 $0x20;
	s6 =	sand.u32 $0x1, s3  }
0x6: {  	s16 =	simm.s32 $0x10;
	s3 =	stileid.u32;
	s7 =	smul.u32 $0x5000, s6  }
0x7: {  	s17 =	simm.s32 $0x0;
	[smem:$0x7FF] =	sst s4;
	s8 =	smul.u32 $0x500, s3  }
0x8: {  	_ =	strace $0x80000047;
	s9 =	sshll.u32 s6, $0x7;
	s6 =	ssub.s32 $0x2, s6  }
0x9: {  	s30 =	smul.u32 $0xA00, s3;
	s13 =	sshll.u32 s3, $0x6;
	s31 =	sshrl.u32 s6, $0x1  }
0xa: {  	s13 =	sor.u32 $0x1C01, s13;
	s7 =	sadd.s32 s8, s7;
	s8 =	sor.u32 s9, s8  }
0xb: {  	s9 =	sshrl.u32 s30, $0x2;
	s10 =	ssub.s32 s6, s31;
	s8 =	sshrl.u32 s8, $0x3  }
0xc: {  	s7 =	sadd.s32 s7, s5;
	s8 =	sadd.s32 s8, s5;
	s5 =	sadd.s32 s9, s2  }
0xd: {  	s6 =	sadd.s32 $0x1000, s7;
	s9 =	simm.s32 $0x2880;
	s7 =	sadd.s32 $0xB000, s8  }
0xe: {  	v0 =	vimm.f32 $0.0e+00;
	s8 =	smax.u32 s10, $0x1;
	s10 =	simm.s32 $0x1;
	s14 =	sshrl.u32 s5, $0x3  }
.LBB2_1:
0xf: {  	[tilespmem:$0x2880] =	vst v0  }
0x10: {  	[tilespmem:$0x2890] =	vst v0  }
0x11: {  	[tilespmem:$0x28A0] =	vst v0  }
0x12: {  	[tilespmem:$0x28B0] =	vst v0  }
0x13: {  	[tilespmem:$0x28C0] =	vst v0  }
0x14: {  	[tilespmem:$0x28D0] =	vst v0  }
0x15: {  	[tilespmem:$0x28E0] =	vst v0  }
0x16: {  	[tilespmem:$0x28F0] =	vst v0  }
0x17: {  	[tilespmem:$0x2900] =	vst v0  }
0x18: {  	[tilespmem:$0x2910] =	vst v0  }
0x19: {  	[tilespmem:$0x2920] =	vst v0  }
0x1a: {  	[tilespmem:$0x2930] =	vst v0  }
0x1b: {  	[tilespmem:$0x2940] =	vst v0  }
0x1c: {  	[tilespmem:$0x2950] =	vst v0  }
0x1d: {  	[tilespmem:$0x2960] =	vst v0  }
0x1e: {  	[tilespmem:$0x2970] =	vst v0  }
0x1f: {  	[tilespmem:$0x2980] =	vst v0  }
0x20: {  	[tilespmem:$0x2990] =	vst v0  }
0x21: {  	[tilespmem:$0x29A0] =	vst v0  }
0x22: {  	[tilespmem:$0x29B0] =	vst v0  }
0x23: {  	[tilespmem:$0x29C0] =	vst v0  }
0x24: {  	[tilespmem:$0x29D0] =	vst v0  }
0x25: {  	[tilespmem:$0x29E0] =	vst v0  }
0x26: {  	[tilespmem:$0x29F0] =	vst v0  }
0x27: {  	[tilespmem:$0x2A00] =	vst v0  }
0x28: {  	[tilespmem:$0x2A10] =	vst v0  }
0x29: {  	[tilespmem:$0x2A20] =	vst v0  }
0x2a: {  	[tilespmem:$0x2A30] =	vst v0  }
0x2b: {  	[tilespmem:$0x2A40] =	vst v0  }
0x2c: {  	[tilespmem:$0x2A50] =	vst v0  }
0x2d: {  	[tilespmem:$0x2A60] =	vst v0  }
0x2e: {  	[tilespmem:$0x2A70] =	vst v0  }
0x2f: {  	[tilespmem:$0x2A80] =	vst v0  }
0x30: {  	[tilespmem:$0x2A90] =	vst v0  }
0x31: {  	[tilespmem:$0x2AA0] =	vst v0  }
0x32: {  	[tilespmem:$0x2AB0] =	vst v0  }
0x33: {  	[tilespmem:$0x2AC0] =	vst v0  }
0x34: {  	[tilespmem:$0x2AD0] =	vst v0  }
0x35: {  	[tilespmem:$0x2AE0] =	vst v0  }
0x36: {  	[tilespmem:$0x2AF0] =	vst v0  }
0x37: {  	[spmem:s5] =	stream.linear.scatter [tilespmem:s9], [sflag:$0x1], $0x280, $0x38;
	[tilespmem:$0x2D80] =	vst v63  }
0x38: {  	_ =	swait.ge [sflag:s10], $0x280  }
0x39: {  	[sflag:s10] =	ssyncset.done $0x0  }
0x3a: {  	[sflag:s10] =	ssyncadd.s32 $0xFFFFFD80  }
0x3b: {  	[tilespmem:s11], [sflag:$0x1] =	stream.linear.gather [hbm4b:s1+s4], $0x80, $0x38;
	[tilespmem:$0x2D80] =	vst v63  }
0x3c: {  	_ =	swait.ge [sflag:s10], $0x80  }
0x3d: {  	[sflag:s10] =	ssyncset.done $0x0  }
0x3e: {  	[sflag:s10] =	ssyncadd.s32 $0xFFFFFF80  }
0x3f: {  	[tilespmem:s4], [sflag:$0x1] =	stream.linear.gather [hbm4b:s6+s4], $0x2800, $0x38;
	[tilespmem:$0x2D80] =	vst v63  }
0x40: {  	_ =	swait.ge [sflag:s10], $0x2800  }
0x41: {  	[sflag:s10] =	ssyncset.done $0x0  }
0x42: {  	[sflag:s10] =	ssyncadd.s32 $0xFFFFD800  }
0x43: {  	s18 =	simm.s32 $0x0;
	[bflag:$0x0] =	sbarrier.arrive $0xFFFF  }
0x44: {  	[spmem:s2] =	stream.indirect.scatter.add.f32 [tilespmem:s11], [sflag:$0x1], $0x1, s18, s12, $0xb8;
	[tilespmem:$0x2D80] =	vst v63  }
0x45: {  	_ =	swait.ge [sflag:s10], $0x80  }
0x46: {  	s18 =	simm.s32 $0x200;
	[sflag:s10] =	ssyncset.done $0x0  }
.LBB2_2:
0x47: {  	s19 =	sshra.s32 s18, $0x2;
	[sflag:s10] =	ssyncadd.s32 $0xFFFFFF80;
	p0 =	sne.s32 s18, $0x9E00  }
0x48: {  	[spmem:s2] =	stream.indirect.scatter.add.f32 [tilespmem:s11], [sflag:$0x1], $0x1, s19, s12, $0xb8;
	[tilespmem:$0x2D80] =	vst v63  }
.Ltmp0:
0x49: {  	_ = 	snop;
	(pc) =	sbr.rel @p0 .LBB2_2-.Ltmp0, $4  }
0x4a: {  	_ = 	snop  }
0x4b: {  	s18 =	sadd.s32 $0x200, s18  }
0x4c: {  	_ =	swait.ge [sflag:s10], $0x80  }
0x4d: {  	[sflag:s10] =	ssyncset.done $0x0  }
0x4e: {  	s17 =	sadd.s32 $0x1, s17  }
0x4f: {  	[sflag:s10] =	ssyncadd.s32 $0xFFFFFF80;
	p0 =	sne.s32 s17, s8  }
.Ltmp1:
0x50: {  	[bflag:$0x0] =	sbarrier.arrive $0xFFFF;
	(pc) =	sbr.rel @p0 .LBB2_1-.Ltmp1, $4  }
0x51: {  	[hbm:s7@s15], [sflag:s13] =	dma.strided [spmem:s14@s16], $0x50, s10, $0x10   }
0x52: {  	_ =	swait.ge [sflag:s10], $0x50  }
0x53: {  	[sflag:s10] =	ssyncset.done $0x0  }
0x54: {  	[sflag:s10] =	ssyncadd.s32 $0xFFFFFFB0  }
0x55: {  	_ =	sfence.sel $0x180000  }
0x56: {  	[bflag:$0x0] =	sbarrier.arrive $0xFFFF  }
0x57: {  	p0 =	sne.s32 s3, $0x0;
	_ =	strace $0x90000047  }
0x58: {  	s0 =	sadd.s32 @!p0 $0x100000, s0;
	[bflag:$0x2] =	sbarrier.arrive $0xFFFF  }
0x59: {  	[sflag:s0] =	ssyncadd.tile.s32 @!p0 $0x1;
	_ =	shalt  }
.Lfunc_end2:
_tile_overlayer_lowered:
.L_overlay_start_2:
0x5a: {  	(tag) =	ssettag $0x2  }
0x5b: {  	s0 =	rddreg [dreg:$0x0];
	s2 =	stileid.u32  }
0x5c: {  	s1 =	rddreg [dreg:$0x1];
	p0 =	sne.s32 s2, $0x0  }
0x5d: {  	s3 =	rddreg [dreg:$0x2];
	[bflag:$0x3] =	sbarrier.arrive $0xFFFF;
	s2 =	simm.s32 @!p0 $0x1C01  }
0x5e: {  	[timem:s3], [sflag:s2] =	dma.local @!p0 [hbm:s0], s1  }
0x5f: {  	s0 =	simm.s32 @!p0 $0x1  }
0x60: {  	_ =	swait.ge @!p0 [sflag:s0], s1  }
0x61: {  	s1 =	ssub.s32 @!p0 $0x0, s1;
	[sflag:s0] =	ssyncset.done @!p0 $0x0  }
0x62: {  	[sflag:s0] =	ssyncadd.s32 @!p0 s1  }
0x63: {  	[bflag:$0x3] =	sbarrier.arrive $0xFFFF  }
0x64: {  	_ =	shalt  }

</sc_bundles>
